<compile_context>
chip_gen: v7x
topology: tpu7x:2x2x1
jax: 0.10.2.dev20260603
libtpu: 0.0.44.dev20260713+nightly
codegen_flags: <defaults>
</compile_context>

<pallas_src>
import functools

import jax
import jax.numpy as jnp
from jax.experimental import pallas as pl
from jax.experimental.pallas import tpu as pltpu


def _transform1_kernel(x_ref, W_ref, Ad_ref, h_ref, ad_ref):
    h = jnp.dot(x_ref[...], W_ref[...], preferred_element_type=jnp.float32)
    h_ref[...] = h.astype(h_ref.dtype)
    ad_ref[...] = jnp.dot(h, Ad_ref[...],
                          preferred_element_type=jnp.float32).astype(ad_ref.dtype)


def _transformN_kernel(num_ref, den_ref, b_ref, R_ref, W_ref, Ad_ref, h_ref, ad_ref):
    den_rep = jnp.dot(den_ref[...], R_ref[...], preferred_element_type=jnp.float32)
    prev = num_ref[...] / (den_rep + 1e-16) + b_ref[...]
    prev = jnp.where(prev > 0, prev, jnp.exp(jnp.minimum(prev, 0.0)) - 1.0)
    h = jnp.dot(prev, W_ref[...], preferred_element_type=jnp.float32)
    h_ref[...] = h.astype(h_ref.dtype)
    ad_ref[...] = jnp.dot(h, Ad_ref[...],
                          preferred_element_type=jnp.float32).astype(ad_ref.dtype)


def _edge_kernel(src_col_ref, dst_col_ref, dst_row_ref, h_ref, ad_ref,
                 As_ref, R_ref, num_ref, den_ref, ad_acc_ref,
                 *, np_, tn, be, heads, feat):
    step = pl.program_id(0)

    @pl.when(step == 0)
    def _init():
        num_ref[...] = jnp.zeros_like(num_ref)
        den_ref[...] = jnp.zeros_like(den_ref)

    src_col = src_col_ref[0]
    dst_col = dst_col_ref[0]
    dst_row = dst_row_ref[0]
    nt = np_ // tn

    dmin = jnp.min(dst_col)
    dmax = jnp.max(dst_col)

    cdt = h_ref.dtype
    h_src = jnp.zeros((be, feat), jnp.float32)
    ad_acc_ref[...] = jnp.zeros_like(ad_acc_ref)
    for t in range(nt):
        base = t * tn
        it = base + jax.lax.broadcasted_iota(jnp.int32, (be, tn), 1)
        o_s = (src_col == it).astype(cdt)
        h_src = h_src + jnp.dot(o_s, h_ref[pl.ds(base, tn), :],
                                preferred_element_type=jnp.float32)

        @pl.when(jnp.logical_and(dmin < base + tn, dmax >= base))
        def _gather_ad(base=base, it=it):
            o_d = (dst_col == it).astype(cdt)
            ad_acc_ref[...] += jnp.dot(o_d, ad_ref[pl.ds(base, tn), :],
                                       preferred_element_type=jnp.float32)
    ad_dst = ad_acc_ref[...]

    as_src = jnp.dot(h_src, As_ref[...], preferred_element_type=jnp.float32)
    e = as_src + ad_dst
    e = jnp.where(e >= 0, e, 0.2 * e)
    w = jnp.exp(e)
    msg = h_src * jnp.dot(w, R_ref[...], preferred_element_type=jnp.float32)
    msg_c = msg.astype(cdt)
    w_c = w.astype(cdt)

    for t in range(nt):
        base = t * tn

        @pl.when(jnp.logical_and(dmin < base + tn, dmax >= base))
        def _scatter(base=base):
            it2 = base + jax.lax.broadcasted_iota(jnp.int32, (tn, be), 0)
            o_dT = (it2 == dst_row).astype(cdt)
            num_ref[pl.ds(base, tn), :] += jnp.dot(
                o_dT, msg_c, preferred_element_type=jnp.float32)
            den_ref[pl.ds(base, tn), :] += jnp.dot(
                o_dT, w_c, preferred_element_type=jnp.float32)


def _final_kernel(num_ref, den_ref, b_ref, R_ref, batch_ref, Wl_ref, bl_ref,
                  out_ref, *, g, np_):
    den_rep = jnp.dot(den_ref[...], R_ref[...], preferred_element_type=jnp.float32)
    hfull = num_ref[...] / (den_rep + 1e-16) + b_ref[...]
    bt = batch_ref[...]
    o_g = (jax.lax.broadcasted_iota(jnp.int32, (g, np_), 0) == bt).astype(jnp.float32)
    ssum = jnp.dot(o_g, hfull, preferred_element_type=jnp.float32)
    cnt = jnp.dot(o_g, jnp.ones_like(hfull), preferred_element_type=jnp.float32)
    pooled = ssum / jnp.maximum(cnt, 1.0)
    out_ref[...] = jnp.dot(pooled, Wl_ref[...],
                           preferred_element_type=jnp.float32) + bl_ref[...]


def _forward(x, edge_index, batch, W1, a_src1, a_dst1, b1, W2, a_src2, a_dst2,
             b2, W3, a_src3, a_dst3, b3, Wl, bl, g):
    n, d_in = x.shape
    e = edge_index.shape[1]
    heads, hid = a_src1.shape
    feat = heads * hid
    out_f = Wl.shape[1]

    np_ = ((n + 127) // 128) * 128
    tn = 2048 if np_ % 2048 == 0 else np_
    be = 1024
    ep = ((e + be - 1) // be) * be

    f32 = jnp.float32
    xp = jnp.zeros((np_, d_in), f32).at[:n].set(x)
    order = jnp.argsort(edge_index[1])
    src = jnp.take(edge_index[0], order)
    dst = jnp.take(edge_index[1], order)
    pad_idx = jnp.full((ep - e,), np_, jnp.int32)
    srcp = jnp.concatenate([src, pad_idx])
    dstp = jnp.concatenate([dst, pad_idx])
    src_col = srcp.reshape(ep // be, be, 1)
    dst_col = dstp.reshape(ep // be, be, 1)
    dst_row = dstp.reshape(ep // be, 1, be)
    batchp = jnp.concatenate([batch, jnp.full((np_ - n,), g, jnp.int32)])
    batchp = batchp.reshape(1, np_)

    R = jnp.repeat(jnp.eye(heads, dtype=f32), hid, axis=1)
    def amat(a):
        return R.T * a.reshape(feat)[:, None]

    full = lambda shape: pl.BlockSpec(shape, lambda i: (0,) * len(shape))

    def transform1(xin, W, Ad):
        grid = (np_ // 128,)
        return pl.pallas_call(
            _transform1_kernel,
            grid=grid,
            in_specs=[
                pl.BlockSpec((128, d_in), lambda i: (i, 0)),
                full((d_in, feat)), full((feat, heads)),
            ],
            out_specs=[
                pl.BlockSpec((128, feat), lambda i: (i, 0)),
                pl.BlockSpec((128, heads), lambda i: (i, 0)),
            ],
            out_shape=[
                jax.ShapeDtypeStruct((np_, feat), jnp.bfloat16),
                jax.ShapeDtypeStruct((np_, heads), jnp.bfloat16),
            ],
        )(xin, W, Ad)

    def transformN(num, den, b, W, Ad):
        grid = (np_ // 128,)
        return pl.pallas_call(
            _transformN_kernel,
            grid=grid,
            in_specs=[
                pl.BlockSpec((128, feat), lambda i: (i, 0)),
                pl.BlockSpec((128, heads), lambda i: (i, 0)),
                full((1, feat)), full((heads, feat)),
                full((feat, feat)), full((feat, heads)),
            ],
            out_specs=[
                pl.BlockSpec((128, feat), lambda i: (i, 0)),
                pl.BlockSpec((128, heads), lambda i: (i, 0)),
            ],
            out_shape=[
                jax.ShapeDtypeStruct((np_, feat), jnp.bfloat16),
                jax.ShapeDtypeStruct((np_, heads), jnp.bfloat16),
            ],
        )(num, den, b, R, W, Ad)

    def edge_layer(h, ad, As):
        grid = (ep // be,)
        return pl.pallas_call(
            functools.partial(_edge_kernel, np_=np_, tn=tn, be=be,
                              heads=heads, feat=feat),
            grid=grid,
            scratch_shapes=[pltpu.VMEM((be, heads), jnp.float32)],
            in_specs=[
                pl.BlockSpec((1, be, 1), lambda i: (i, 0, 0)),
                pl.BlockSpec((1, be, 1), lambda i: (i, 0, 0)),
                pl.BlockSpec((1, 1, be), lambda i: (i, 0, 0)),
                full((np_, feat)), full((np_, heads)),
                full((feat, heads)), full((heads, feat)),
            ],
            out_specs=[full((np_, feat)), full((np_, heads))],
            out_shape=[
                jax.ShapeDtypeStruct((np_, feat), f32),
                jax.ShapeDtypeStruct((np_, heads), f32),
            ],
        )(src_col, dst_col, dst_row, h, ad, As, R)

    def final(num, den, b):
        return pl.pallas_call(
            functools.partial(_final_kernel, g=g, np_=np_),
            grid=(1,),
            in_specs=[
                full((np_, feat)), full((np_, heads)),
                full((1, feat)), full((heads, feat)),
                full((1, np_)), full((feat, out_f)), full((1, out_f)),
            ],
            out_specs=full((g, out_f)),
            out_shape=jax.ShapeDtypeStruct((g, out_f), f32),
        )(num, den, b, R, batchp, Wl, bl.reshape(1, out_f))

    h, ad = transform1(xp, W1, amat(a_dst1))
    num, den = edge_layer(h, ad, amat(a_src1))
    h, ad = transformN(num, den, b1.reshape(1, feat), W2, amat(a_dst2))
    num, den = edge_layer(h, ad, amat(a_src2))
    h, ad = transformN(num, den, b2.reshape(1, feat), W3, amat(a_dst3))
    num, den = edge_layer(h, ad, amat(a_src3))
    return final(num, den, b3.reshape(1, feat))


def kernel(x, edge_index, batch, W1, a_src1, a_dst1, b1, W2, a_src2, a_dst2,
           b2, W3, a_src3, a_dst3, b3, Wl, bl):
    return _forward(x, edge_index, batch, W1, a_src1, a_dst1, b1,
                    W2, a_src2, a_dst2, b2, W3, a_src3, a_dst3, b3, Wl, bl,
                    g=64)

# --- scband reference (transcript-rebuilt; emitter-appended) ---
"""Pipeline reference for scband-bio-gnn-19241453486765 (READ-ONLY COPY).

The authoritative reference and input builder live on the scoring server;
editing this copy changes nothing except your own understanding.
"""

import jax, jax.numpy as jnp
import numpy as np

N = 10000
E = 640000
D_IN = 128
HEADS = 4
HID = 32
OUT = 8
G = 64


def _glorot(key, shape, fan_in):
    return jax.random.normal(key, shape, dtype=jnp.float32) * (1.0 / np.sqrt(fan_in))


def setup_inputs(seed: int = 0) -> dict:
    key = jax.random.key(seed)
    ks = jax.random.split(key, 16)
    x = jax.random.normal(ks[0], (N, D_IN), dtype=jnp.float32)
    edge_index = jax.random.randint(ks[1], (2, E), 0, N, dtype=jnp.int32)
    batch = jnp.sort(jax.random.randint(ks[2], (N,), 0, G, dtype=jnp.int32))
    W1 = _glorot(ks[3], (D_IN, HEADS * HID), D_IN)
    a_src1 = _glorot(ks[4], (HEADS, HID), HID)
    a_dst1 = _glorot(ks[5], (HEADS, HID), HID)
    b1 = jnp.zeros((HEADS * HID,), jnp.float32)
    W2 = _glorot(ks[6], (HEADS * HID, HEADS * HID), HEADS * HID)
    a_src2 = _glorot(ks[7], (HEADS, HID), HID)
    a_dst2 = _glorot(ks[8], (HEADS, HID), HID)
    b2 = jnp.zeros((HEADS * HID,), jnp.float32)
    W3 = _glorot(ks[9], (HEADS * HID, HEADS * HID), HEADS * HID)
    a_src3 = _glorot(ks[10], (HEADS, HID), HID)
    a_dst3 = _glorot(ks[11], (HEADS, HID), HID)
    b3 = jnp.zeros((HEADS * HID,), jnp.float32)
    Wl = _glorot(ks[12], (HEADS * HID, OUT), HEADS * HID)
    bl = jnp.zeros((OUT,), jnp.float32)
    return {
        "x": x, "edge_index": edge_index, "batch": batch,
        "W1": W1, "a_src1": a_src1, "a_dst1": a_dst1, "b1": b1,
        "W2": W2, "a_src2": a_src2, "a_dst2": a_dst2, "b2": b2,
        "W3": W3, "a_src3": a_src3, "a_dst3": a_dst3, "b3": b3,
        "Wl": Wl, "bl": bl,
    }


def _gat_layer(h_in, src, dst, W, a_s, a_d, b):
    # PyG GATConv: h = W x (per head); e_ij = LeakyReLU(a_src.h_j + a_dst.h_i);
    # alpha = softmax over incoming edges of node i; out_i = sum_j alpha_ij h_j.
    h = (h_in @ W).reshape(-1, HEADS, HID)
    alpha_s = jnp.sum(h * a_s[None, :, :], axis=-1)  # [N, HEADS]
    alpha_d = jnp.sum(h * a_d[None, :, :], axis=-1)  # [N, HEADS]
    e = jax.nn.leaky_relu(alpha_s[src] + alpha_d[dst], negative_slope=0.2)  # [E, HEADS]
    emax = jax.ops.segment_max(e, dst, num_segments=N)
    emax = jnp.where(jnp.isfinite(emax), emax, 0.0)
    ex = jnp.exp(e - emax[dst])
    den = jax.ops.segment_sum(ex, dst, num_segments=N)
    alpha = ex / (den[dst] + 1e-16)
    msg = h[src] * alpha[:, :, None]  # [E, HEADS, HID]
    out = jax.ops.segment_sum(msg, dst, num_segments=N)
    return out.reshape(-1, HEADS * HID) + b


def reference(x, edge_index, batch, W1, a_src1, a_dst1, b1, W2, a_src2, a_dst2, b2,
              W3, a_src3, a_dst3, b3, Wl, bl):
    src = edge_index[0]
    dst = edge_index[1]
    h = jax.nn.elu(_gat_layer(x, src, dst, W1, a_src1, a_dst1, b1))
    h = jax.nn.elu(_gat_layer(h, src, dst, W2, a_src2, a_dst2, b2))
    h = _gat_layer(h, src, dst, W3, a_src3, a_dst3, b3)
    seg_sum = jax.ops.segment_sum(h, batch, num_segments=G)
    cnt = jax.ops.segment_sum(jnp.ones((h.shape[0],), jnp.float32), batch, num_segments=G)
    pooled = seg_sum / jnp.maximum(cnt, 1.0)[:, None]
    return pooled @ Wl + bl

if __name__ == "__main__":
    import jax
    _d = setup_inputs()
    print(jax.jit(kernel)(*tuple(_d.values())))

</pallas_src>

<mosaic_0001>
module attributes {stable_mosaic.version = 14 : i64} {
  func.func @_transform1_kernel(%arg0: i32, %arg1: memref<128x128xf32, #tpu.memory_space<vmem>>, %arg2: memref<128x128xf32, #tpu.memory_space<vmem>>, %arg3: memref<128x4xf32, #tpu.memory_space<vmem>>, %arg4: memref<128x128xbf16, #tpu.memory_space<vmem>>, %arg5: memref<128x4xbf16, #tpu.memory_space<vmem>>) attributes {dimension_semantics = [#tpu.dimension_semantics<arbitrary>], iteration_bounds = array<i64: 79>, scalar_prefetch = 0 : i64, scratch_operands = 0 : i64, tpu.core_type = #tpu.core_type<tc>, window_params = [{transform_indices = @transform_0, window_bounds = array<i64: 128, 128>}, {pipeline_mode = #tpu.pipeline_mode<synchronous>, transform_indices = @transform_1, window_bounds = array<i64: 128, 128>}, {pipeline_mode = #tpu.pipeline_mode<synchronous>, transform_indices = @transform_2, window_bounds = array<i64: 128, 4>}, {transform_indices = @transform_3, window_bounds = array<i64: 128, 128>}, {transform_indices = @transform_4, window_bounds = array<i64: 128, 4>}]} {
    %get3A = arith.constant 0 : index
    %get3A_0 = arith.constant 0 : index
    %get3A_1 = vector.load %arg1[%get3A, %get3A_0] : memref<128x128xf32, #tpu.memory_space<vmem>>, vector<128x128xf32>
    %get3A_2 = arith.constant 0 : index
    %get3A_3 = arith.constant 0 : index
    %get3A_4 = vector.load %arg2[%get3A_2, %get3A_3] : memref<128x128xf32, #tpu.memory_space<vmem>>, vector<128x128xf32>
    %dot_general3A = arith.constant dense<0.000000e+00> : vector<128x128xf32>
    %dot_general3A_5 = tpu.matmul %get3A_1, %get3A_4, %dot_general3A {dimension_numbers = #tpu.dot_dimension_numbers<[1], [0], [0], [1], [0, 0, 1, 1], [], []>, transpose_lhs_hint = false} : vector<128x128xf32>, vector<128x128xf32>, vector<128x128xf32> -> vector<128x128xf32>
    %convert_element_type3A = arith.truncf %dot_general3A_5 : vector<128x128xf32> to vector<128x128xbf16>
    %swap3A = arith.constant 0 : index
    %swap3A_6 = arith.constant 0 : index
    %swap3A_7 = vector.load %arg4[%swap3A, %swap3A_6] : memref<128x128xbf16, #tpu.memory_space<vmem>>, vector<128x128xbf16>
    tpu.vector_store %arg4[%swap3A, %swap3A_6], %convert_element_type3A {strides = array<i32>} : memref<128x128xbf16, #tpu.memory_space<vmem>>, vector<128x128xbf16>,
    %get3A_8 = arith.constant 0 : index
    %get3A_9 = arith.constant 0 : index
    %get3A_10 = vector.load %arg3[%get3A_8, %get3A_9] : memref<128x4xf32, #tpu.memory_space<vmem>>, vector<128x4xf32>
    %dot_general3A_11 = arith.constant dense<0.000000e+00> : vector<128x4xf32>
    %dot_general3A_12 = tpu.matmul %dot_general3A_5, %get3A_10, %dot_general3A_11 {dimension_numbers = #tpu.dot_dimension_numbers<[1], [0], [0], [1], [0, 0, 1, 1], [], []>, transpose_lhs_hint = false} : vector<128x128xf32>, vector<128x4xf32>, vector<128x4xf32> -> vector<128x4xf32>
    %convert_element_type3A_13 = arith.truncf %dot_general3A_12 : vector<128x4xf32> to vector<128x4xbf16>
    %swap3A_14 = arith.constant 0 : index
    %swap3A_15 = arith.constant 0 : index
    %swap3A_16 = vector.load %arg5[%swap3A_14, %swap3A_15] : memref<128x4xbf16, #tpu.memory_space<vmem>>, vector<128x4xbf16>
    tpu.vector_store %arg5[%swap3A_14, %swap3A_15], %convert_element_type3A_13 {strides = array<i32>} : memref<128x4xbf16, #tpu.memory_space<vmem>>, vector<128x4xbf16>,
    return
  }
  func.func @transform_0(%arg0: i32) -> (i32, i32) {
    %c0_i32 = arith.constant 0 : i32
    %c0_i32_0 = arith.constant 0 : i32
    return %arg0, %c0_i32 : i32, i32
  }
  func.func @transform_1(%arg0: i32) -> (i32, i32) {
    %c0_i32 = arith.constant 0 : i32
    %c0_i32_0 = arith.constant 0 : i32
    %c0_i32_1 = arith.constant 0 : i32
    return %c0_i32, %c0_i32_0 : i32, i32
  }
  func.func @transform_2(%arg0: i32) -> (i32, i32) {
    %c0_i32 = arith.constant 0 : i32
    %c0_i32_0 = arith.constant 0 : i32
    %c0_i32_1 = arith.constant 0 : i32
    return %c0_i32, %c0_i32_0 : i32, i32
  }
  func.func @transform_3(%arg0: i32) -> (i32, i32) {
    %c0_i32 = arith.constant 0 : i32
    %c0_i32_0 = arith.constant 0 : i32
    return %arg0, %c0_i32 : i32, i32
  }
  func.func @transform_4(%arg0: i32) -> (i32, i32) {
    %c0_i32 = arith.constant 0 : i32
    %c0_i32_0 = arith.constant 0 : i32
    return %arg0, %c0_i32 : i32, i32
  }
}

module attributes {stable_mosaic.version = 14 : i64} {
  func.func @_edge_kernel(%arg0: i32, %arg1: memref<1x1024x1xi32, #tpu.memory_space<vmem>>, %arg2: memref<1x1024x1xi32, #tpu.memory_space<vmem>>, %arg3: memref<1x1x1024xi32, #tpu.memory_space<vmem>>, %arg4: memref<10112x128xbf16, #tpu.memory_space<vmem>>, %arg5: memref<10112x4xbf16, #tpu.memory_space<vmem>>, %arg6: memref<128x4xf32, #tpu.memory_space<vmem>>, %arg7: memref<4x128xf32, #tpu.memory_space<vmem>>, %arg8: memref<10112x128xf32, #tpu.memory_space<vmem>>, %arg9: memref<10112x4xf32, #tpu.memory_space<vmem>>, %arg10: memref<1024x4xf32, #tpu.memory_space<vmem>>) attributes {dimension_semantics = [#tpu.dimension_semantics<arbitrary>], iteration_bounds = array<i64: 625>, scalar_prefetch = 0 : i64, scratch_operands = 1 : i64, tpu.core_type = #tpu.core_type<tc>, window_params = [{transform_indices = @transform_0, window_bounds = array<i64: 1, 1024, 1>}, {transform_indices = @transform_1, window_bounds = array<i64: 1, 1024, 1>}, {transform_indices = @transform_2, window_bounds = array<i64: 1, 1, 1024>}, {pipeline_mode = #tpu.pipeline_mode<synchronous>, transform_indices = @transform_3, window_bounds = array<i64: 10112, 128>}, {pipeline_mode = #tpu.pipeline_mode<synchronous>, transform_indices = @transform_4, window_bounds = array<i64: 10112, 4>}, {pipeline_mode = #tpu.pipeline_mode<synchronous>, transform_indices = @transform_5, window_bounds = array<i64: 128, 4>}, {pipeline_mode = #tpu.pipeline_mode<synchronous>, transform_indices = @transform_6, window_bounds = array<i64: 4, 128>}, {pipeline_mode = #tpu.pipeline_mode<synchronous>, transform_indices = @transform_7, window_bounds = array<i64: 10112, 128>}, {pipeline_mode = #tpu.pipeline_mode<synchronous>, transform_indices = @transform_8, window_bounds = array<i64: 10112, 4>}]} {
    %eq3A = arith.constant 0 : i32
    %eq3A_0 = arith.cmpi eq, %arg0, %eq3A : i32
    %convert_element_type3A = arith.extui %eq3A_0 : i1 to i32
    %cond3A = arith.constant 0 : i32
    %cond3A_1 = arith.cmpi ne, %convert_element_type3A, %cond3A : i32
    scf.if %cond3A_1 {
      %broadcast_in_dim3A_76 = arith.constant 0.000000e+00 : f32
      %broadcast_in_dim3A_77 = vector.broadcast %broadcast_in_dim3A_76 : f32 to vector<10112x128xf32>
      %swap3A_78 = arith.constant 0 : index
      %swap3A_79 = arith.constant 0 : index
      %swap3A_80 = vector.load %arg8[%swap3A_78, %swap3A_79] : memref<10112x128xf32, #tpu.memory_space<vmem>>, vector<10112x128xf32>
      tpu.vector_store %arg8[%swap3A_78, %swap3A_79], %broadcast_in_dim3A_77 {strides = array<i32>} : memref<10112x128xf32, #tpu.memory_space<vmem>>, vector<10112x128xf32>,
      %broadcast_in_dim3A_81 = arith.constant 0.000000e+00 : f32
      %broadcast_in_dim3A_82 = vector.broadcast %broadcast_in_dim3A_81 : f32 to vector<10112x4xf32>
      %swap3A_83 = arith.constant 0 : index
      %swap3A_84 = arith.constant 0 : index
      %swap3A_85 = vector.load %arg9[%swap3A_83, %swap3A_84] : memref<10112x4xf32, #tpu.memory_space<vmem>>, vector<10112x4xf32>
      tpu.vector_store %arg9[%swap3A_83, %swap3A_84], %broadcast_in_dim3A_82 {strides = array<i32>} : memref<10112x4xf32, #tpu.memory_space<vmem>>, vector<10112x4xf32>,
    } else {
    }
    %get3A = arith.constant 0 : index
    %get3A_2 = arith.constant 0 : index
    %get3A_3 = arith.constant 0 : index
    %get3A_4 = vector.load %arg1[%get3A, %get3A_2, %get3A_3] : memref<1x1024x1xi32, #tpu.memory_space<vmem>>, vector<1x1024x1xi32>
    %get3A_5 = vector.shape_cast %get3A_4 : vector<1x1024x1xi32> to vector<1024x1xi32>
    %get3A_6 = arith.constant 0 : index
    %get3A_7 = arith.constant 0 : index
    %get3A_8 = arith.constant 0 : index
    %get3A_9 = vector.load %arg2[%get3A_6, %get3A_7, %get3A_8] : memref<1x1024x1xi32, #tpu.memory_space<vmem>>, vector<1x1024x1xi32>
    %get3A_10 = vector.shape_cast %get3A_9 : vector<1x1024x1xi32> to vector<1024x1xi32>
    %get3A_11 = arith.constant 0 : index
    %get3A_12 = arith.constant 0 : index
    %get3A_13 = arith.constant 0 : index
    %get3A_14 = vector.load %arg3[%get3A_11, %get3A_12, %get3A_13] : memref<1x1x1024xi32, #tpu.memory_space<vmem>>, vector<1x1x1024xi32>
    %get3A_15 = vector.shape_cast %get3A_14 : vector<1x1x1024xi32> to vector<1x1024xi32>
    %reduce_min3A = vector.shape_cast %get3A_10 : vector<1024x1xi32> to vector<1x1024x1xi32>
    %reduce_min3A_16 = arith.constant dense<2147483647> : vector<1xi32>
    %reduce_min3A_17 = vector.multi_reduction <minsi>, %reduce_min3A, %reduce_min3A_16 [1, 2] : vector<1x1024x1xi32> to vector<1xi32>
    %reduce_min3A_18 = vector.shape_cast %reduce_min3A_17 : vector<1xi32> to vector<1x1x1xi32>
    %reduce_min3A_19 = vector.extract %reduce_min3A_18[0, 0, 0] : i32 from vector<1x1x1xi32>
    %reduce_max3A = vector.shape_cast %get3A_10 : vector<1024x1xi32> to vector<1x1024x1xi32>
    %reduce_max3A_20 = arith.constant dense<-2147483648> : vector<1xi32>
    %reduce_max3A_21 = vector.multi_reduction <maxsi>, %reduce_max3A, %reduce_max3A_20 [1, 2] : vector<1x1024x1xi32> to vector<1xi32>
    %reduce_max3A_22 = vector.shape_cast %reduce_max3A_21 : vector<1xi32> to vector<1x1x1xi32>
    %reduce_max3A_23 = vector.extract %reduce_max3A_22[0, 0, 0] : i32 from vector<1x1x1xi32>
    %broadcast_in_dim3A = arith.constant 0.000000e+00 : f32
    %broadcast_in_dim3A_24 = vector.broadcast %broadcast_in_dim3A : f32 to vector<1024x128xf32>
    %broadcast_in_dim3A_25 = arith.constant 0.000000e+00 : f32
    %broadcast_in_dim3A_26 = vector.broadcast %broadcast_in_dim3A_25 : f32 to vector<1024x4xf32>
    %swap3A = arith.constant 0 : index
    %swap3A_27 = arith.constant 0 : index
    %swap3A_28 = vector.load %arg10[%swap3A, %swap3A_27] : memref<1024x4xf32, #tpu.memory_space<vmem>>, vector<1024x4xf32>
    tpu.vector_store %arg10[%swap3A, %swap3A_27], %broadcast_in_dim3A_26 {strides = array<i32>} : memref<1024x4xf32, #tpu.memory_space<vmem>>, vector<1024x4xf32>,
    %iota3A = tpu.iota {dimensions = array<i32: 1>} : vector<1024x10112xi32>
    %add3A = arith.constant 0 : i32
    %add3A_29 = vector.broadcast %add3A : i32 to vector<1024x10112xi32>
    %add3A_30 = arith.addi %add3A_29, %iota3A : vector<1024x10112xi32>
    %eq3A_31 = vector.broadcast %get3A_5 : vector<1024x1xi32> to vector<1024x10112xi32>
    %eq3A_32 = arith.cmpi eq, %eq3A_31, %add3A_30 : vector<1024x10112xi32>
    %convert_element_type3A_33 = arith.extui %eq3A_32 : vector<1024x10112xi1> to vector<1024x10112xi32>
    %convert_element_type3A_34 = arith.sitofp %convert_element_type3A_33 : vector<1024x10112xi32> to vector<1024x10112xf32>
    %convert_element_type3A_35 = arith.truncf %convert_element_type3A_34 : vector<1024x10112xf32> to vector<1024x10112xbf16>
    %get3A_36 = arith.constant 0 : index
    %get3A_37 = arith.constant 0 : index
    %get3A_38 = vector.load %arg4[%get3A_36, %get3A_37] : memref<10112x128xbf16, #tpu.memory_space<vmem>>, vector<10112x128xbf16>
    %dot_general3A = arith.constant dense<0.000000e+00> : vector<1024x128xf32>
    %dot_general3A_39 = tpu.matmul %convert_element_type3A_35, %get3A_38, %dot_general3A {dimension_numbers = #tpu.dot_dimension_numbers<[1], [0], [0], [1], [0, 0, 1, 1], [], []>, transpose_lhs_hint = false} : vector<1024x10112xbf16>, vector<10112x128xbf16>, vector<1024x128xf32> -> vector<1024x128xf32>
    %add3A_40 = arith.addf %broadcast_in_dim3A_24, %dot_general3A_39 : vector<1024x128xf32>
    %lt3A = arith.constant 10112 : i32
    %lt3A_41 = arith.cmpi slt, %reduce_min3A_19, %lt3A : i32
    %ge3A = arith.constant 0 : i32
    %ge3A_42 = arith.cmpi sge, %reduce_max3A_23, %ge3A : i32
    %and3A = arith.andi %lt3A_41, %ge3A_42 : i1
    %convert_element_type3A_43 = arith.extui %and3A : i1 to i32
    %cond3A_44 = arith.constant 0 : i32
    %cond3A_45 = arith.cmpi ne, %convert_element_type3A_43, %cond3A_44 : i32
    scf.if %cond3A_45 {
      %eq3A_76 = vector.broadcast %get3A_10 : vector<1024x1xi32> to vector<1024x10112xi32>
      %eq3A_77 = arith.cmpi eq, %eq3A_76, %add3A_30 : vector<1024x10112xi32>
      %convert_element_type3A_78 = arith.extui %eq3A_77 : vector<1024x10112xi1> to vector<1024x10112xi32>
      %convert_element_type3A_79 = arith.sitofp %convert_element_type3A_78 : vector<1024x10112xi32> to vector<1024x10112xf32>
      %convert_element_type3A_80 = arith.truncf %convert_element_type3A_79 : vector<1024x10112xf32> to vector<1024x10112xbf16>
      %get3A_81 = arith.constant 0 : index
      %get3A_82 = arith.constant 0 : index
      %get3A_83 = vector.load %arg10[%get3A_81, %get3A_82] : memref<1024x4xf32, #tpu.memory_space<vmem>>, vector<1024x4xf32>
      %get3A_84 = arith.constant 0 : index
      %get3A_85 = arith.constant 0 : index
      %get3A_86 = vector.load %arg5[%get3A_84, %get3A_85] : memref<10112x4xbf16, #tpu.memory_space<vmem>>, vector<10112x4xbf16>
      %dot_general3A_87 = arith.constant dense<0.000000e+00> : vector<1024x4xf32>
      %dot_general3A_88 = tpu.matmul %convert_element_type3A_80, %get3A_86, %dot_general3A_87 {dimension_numbers = #tpu.dot_dimension_numbers<[1], [0], [0], [1], [0, 0, 1, 1], [], []>, transpose_lhs_hint = false} : vector<1024x10112xbf16>, vector<10112x4xbf16>, vector<1024x4xf32> -> vector<1024x4xf32>
      %add3A_89 = arith.addf %get3A_83, %dot_general3A_88 : vector<1024x4xf32>
      %swap3A_90 = arith.constant 0 : index
      %swap3A_91 = arith.constant 0 : index
      %swap3A_92 = vector.load %arg10[%swap3A_90, %swap3A_91] : memref<1024x4xf32, #tpu.memory_space<vmem>>, vector<1024x4xf32>
      tpu.vector_store %arg10[%swap3A_90, %swap3A_91], %add3A_89 {strides = array<i32>} : memref<1024x4xf32, #tpu.memory_space<vmem>>, vector<1024x4xf32>,
    } else {
    }
    %get3A_46 = arith.constant 0 : index
    %get3A_47 = arith.constant 0 : index
    %get3A_48 = vector.load %arg10[%get3A_46, %get3A_47] : memref<1024x4xf32, #tpu.memory_space<vmem>>, vector<1024x4xf32>
    %get3A_49 = arith.constant 0 : index
    %get3A_50 = arith.constant 0 : index
    %get3A_51 = vector.load %arg6[%get3A_49, %get3A_50] : memref<128x4xf32, #tpu.memory_space<vmem>>, vector<128x4xf32>
    %dot_general3A_52 = arith.constant dense<0.000000e+00> : vector<1024x4xf32>
    %dot_general3A_53 = tpu.matmul %add3A_40, %get3A_51, %dot_general3A_52 {dimension_numbers = #tpu.dot_dimension_numbers<[1], [0], [0], [1], [0, 0, 1, 1], [], []>, transpose_lhs_hint = false} : vector<1024x128xf32>, vector<128x4xf32>, vector<1024x4xf32> -> vector<1024x4xf32>
    %add3A_54 = arith.addf %dot_general3A_53, %get3A_48 : vector<1024x4xf32>
    %ge3A_55 = arith.constant 0.000000e+00 : f32
    %ge3A_56 = vector.broadcast %ge3A_55 : f32 to vector<1024x4xf32>
    %ge3A_57 = arith.cmpf oge, %add3A_54, %ge3A_56 : vector<1024x4xf32>
    %mul3A = arith.constant 2.000000e-01 : f32
    %mul3A_58 = vector.broadcast %mul3A : f32 to vector<1024x4xf32>
    %mul3A_59 = arith.mulf %mul3A_58, %add3A_54 : vector<1024x4xf32>
    %select_n3A = arith.select %ge3A_57, %add3A_54, %mul3A_59 : vector<1024x4xi1>, vector<1024x4xf32>
    %exp3A = math.exp %select_n3A : vector<1024x4xf32>
    %get3A_60 = arith.constant 0 : index
    %get3A_61 = arith.constant 0 : index
    %get3A_62 = vector.load %arg7[%get3A_60, %get3A_61] : memref<4x128xf32, #tpu.memory_space<vmem>>, vector<4x128xf32>
    %dot_general3A_63 = arith.constant dense<0.000000e+00> : vector<1024x128xf32>
    %dot_general3A_64 = tpu.matmul %exp3A, %get3A_62, %dot_general3A_63 {dimension_numbers = #tpu.dot_dimension_numbers<[1], [0], [0], [1], [0, 0, 1, 1], [], []>, transpose_lhs_hint = false} : vector<1024x4xf32>, vector<4x128xf32>, vector<1024x128xf32> -> vector<1024x128xf32>
    %mul3A_65 = arith.mulf %add3A_40, %dot_general3A_64 : vector<1024x128xf32>
    %convert_element_type3A_66 = arith.truncf %mul3A_65 : vector<1024x128xf32> to vector<1024x128xbf16>
    %convert_element_type3A_67 = arith.truncf %exp3A : vector<1024x4xf32> to vector<1024x4xbf16>
    %lt3A_68 = arith.constant 10112 : i32
    %lt3A_69 = arith.cmpi slt, %reduce_min3A_19, %lt3A_68 : i32
    %ge3A_70 = arith.constant 0 : i32
    %ge3A_71 = arith.cmpi sge, %reduce_max3A_23, %ge3A_70 : i32
    %and3A_72 = arith.andi %lt3A_69, %ge3A_71 : i1
    %convert_element_type3A_73 = arith.extui %and3A_72 : i1 to i32
    %cond3A_74 = arith.constant 0 : i32
    %cond3A_75 = arith.cmpi ne, %convert_element_type3A_73, %cond3A_74 : i32
    scf.if %cond3A_75 {
      %iota3A_76 = tpu.iota {dimensions = array<i32: 0>} : vector<10112x1024xi32>
      %add3A_77 = arith.constant 0 : i32
      %add3A_78 = vector.broadcast %add3A_77 : i32 to vector<10112x1024xi32>
      %add3A_79 = arith.addi %add3A_78, %iota3A_76 : vector<10112x1024xi32>
      %eq3A_80 = vector.broadcast %get3A_15 : vector<1x1024xi32> to vector<10112x1024xi32>
      %eq3A_81 = arith.cmpi eq, %add3A_79, %eq3A_80 : vector<10112x1024xi32>
      %convert_element_type3A_82 = arith.extui %eq3A_81 : vector<10112x1024xi1> to vector<10112x1024xi32>
      %convert_element_type3A_83 = arith.sitofp %convert_element_type3A_82 : vector<10112x1024xi32> to vector<10112x1024xf32>
      %convert_element_type3A_84 = arith.truncf %convert_element_type3A_83 : vector<10112x1024xf32> to vector<10112x1024xbf16>
      %get3A_85 = arith.constant 0 : index
      %get3A_86 = arith.constant 0 : index
      %get3A_87 = vector.load %arg8[%get3A_85, %get3A_86] : memref<10112x128xf32, #tpu.memory_space<vmem>>, vector<10112x128xf32>
      %dot_general3A_88 = arith.constant dense<0.000000e+00> : vector<10112x128xf32>
      %dot_general3A_89 = tpu.matmul %convert_element_type3A_84, %convert_element_type3A_66, %dot_general3A_88 {dimension_numbers = #tpu.dot_dimension_numbers<[1], [0], [0], [1], [0, 0, 1, 1], [], []>, transpose_lhs_hint = false} : vector<10112x1024xbf16>, vector<1024x128xbf16>, vector<10112x128xf32> -> vector<10112x128xf32>
      %add3A_90 = arith.addf %get3A_87, %dot_general3A_89 : vector<10112x128xf32>
      %swap3A_91 = arith.constant 0 : index
      %swap3A_92 = arith.constant 0 : index
      %swap3A_93 = vector.load %arg8[%swap3A_91, %swap3A_92] : memref<10112x128xf32, #tpu.memory_space<vmem>>, vector<10112x128xf32>
      tpu.vector_store %arg8[%swap3A_91, %swap3A_92], %add3A_90 {strides = array<i32>} : memref<10112x128xf32, #tpu.memory_space<vmem>>, vector<10112x128xf32>,
      %get3A_94 = arith.constant 0 : index
      %get3A_95 = arith.constant 0 : index
      %get3A_96 = vector.load %arg9[%get3A_94, %get3A_95] : memref<10112x4xf32, #tpu.memory_space<vmem>>, vector<10112x4xf32>
      %dot_general3A_97 = arith.constant dense<0.000000e+00> : vector<10112x4xf32>
      %dot_general3A_98 = tpu.matmul %convert_element_type3A_84, %convert_element_type3A_67, %dot_general3A_97 {dimension_numbers = #tpu.dot_dimension_numbers<[1], [0], [0], [1], [0, 0, 1, 1], [], []>, transpose_lhs_hint = false} : vector<10112x1024xbf16>, vector<1024x4xbf16>, vector<10112x4xf32> -> vector<10112x4xf32>
      %add3A_99 = arith.addf %get3A_96, %dot_general3A_98 : vector<10112x4xf32>
      %swap3A_100 = arith.constant 0 : index
      %swap3A_101 = arith.constant 0 : index
      %swap3A_102 = vector.load %arg9[%swap3A_100, %swap3A_101] : memref<10112x4xf32, #tpu.memory_space<vmem>>, vector<10112x4xf32>
      tpu.vector_store %arg9[%swap3A_100, %swap3A_101], %add3A_99 {strides = array<i32>} : memref<10112x4xf32, #tpu.memory_space<vmem>>, vector<10112x4xf32>,
    } else {
    }
    return
  }
  func.func @transform_0(%arg0: i32) -> (i32, i32, i32) {
    %c0_i32 = arith.constant 0 : i32
    %c0_i32_0 = arith.constant 0 : i32
    %c0_i32_1 = arith.constant 0 : i32
    return %arg0, %c0_i32, %c0_i32_0 : i32, i32, i32
  }
  func.func @transform_1(%arg0: i32) -> (i32, i32, i32) {
    %c0_i32 = arith.constant 0 : i32
    %c0_i32_0 = arith.constant 0 : i32
    %c0_i32_1 = arith.constant 0 : i32
    return %arg0, %c0_i32, %c0_i32_0 : i32, i32, i32
  }
  func.func @transform_2(%arg0: i32) -> (i32, i32, i32) {
    %c0_i32 = arith.constant 0 : i32
    %c0_i32_0 = arith.constant 0 : i32
    %c0_i32_1 = arith.constant 0 : i32
    return %arg0, %c0_i32, %c0_i32_0 : i32, i32, i32
  }
  func.func @transform_3(%arg0: i32) -> (i32, i32) {
    %c0_i32 = arith.constant 0 : i32
    %c0_i32_0 = arith.constant 0 : i32
    %c0_i32_1 = arith.constant 0 : i32
    return %c0_i32, %c0_i32_0 : i32, i32
  }
  func.func @transform_4(%arg0: i32) -> (i32, i32) {
    %c0_i32 = arith.constant 0 : i32
    %c0_i32_0 = arith.constant 0 : i32
    %c0_i32_1 = arith.constant 0 : i32
    return %c0_i32, %c0_i32_0 : i32, i32
  }
  func.func @transform_5(%arg0: i32) -> (i32, i32) {
    %c0_i32 = arith.constant 0 : i32
    %c0_i32_0 = arith.constant 0 : i32
    %c0_i32_1 = arith.constant 0 : i32
    return %c0_i32, %c0_i32_0 : i32, i32
  }
  func.func @transform_6(%arg0: i32) -> (i32, i32) {
    %c0_i32 = arith.constant 0 : i32
    %c0_i32_0 = arith.constant 0 : i32
    %c0_i32_1 = arith.constant 0 : i32
    return %c0_i32, %c0_i32_0 : i32, i32
  }
  func.func @transform_7(%arg0: i32) -> (i32, i32) {
    %c0_i32 = arith.constant 0 : i32
    %c0_i32_0 = arith.constant 0 : i32
    %c0_i32_1 = arith.constant 0 : i32
    return %c0_i32, %c0_i32_0 : i32, i32
  }
  func.func @transform_8(%arg0: i32) -> (i32, i32) {
    %c0_i32 = arith.constant 0 : i32
    %c0_i32_0 = arith.constant 0 : i32
    %c0_i32_1 = arith.constant 0 : i32
    return %c0_i32, %c0_i32_0 : i32, i32
  }
}

module attributes {stable_mosaic.version = 14 : i64} {
  func.func @_transformN_kernel(%arg0: i32, %arg1: memref<128x128xf32, #tpu.memory_space<vmem>>, %arg2: memref<128x4xf32, #tpu.memory_space<vmem>>, %arg3: memref<1x128xf32, #tpu.memory_space<vmem>>, %arg4: memref<4x128xf32, #tpu.memory_space<vmem>>, %arg5: memref<128x128xf32, #tpu.memory_space<vmem>>, %arg6: memref<128x4xf32, #tpu.memory_space<vmem>>, %arg7: memref<128x128xbf16, #tpu.memory_space<vmem>>, %arg8: memref<128x4xbf16, #tpu.memory_space<vmem>>) attributes {dimension_semantics = [#tpu.dimension_semantics<arbitrary>], iteration_bounds = array<i64: 79>, scalar_prefetch = 0 : i64, scratch_operands = 0 : i64, tpu.core_type = #tpu.core_type<tc>, window_params = [{transform_indices = @transform_0, window_bounds = array<i64: 128, 128>}, {transform_indices = @transform_1, window_bounds = array<i64: 128, 4>}, {pipeline_mode = #tpu.pipeline_mode<synchronous>, transform_indices = @transform_2, window_bounds = array<i64: 1, 128>}, {pipeline_mode = #tpu.pipeline_mode<synchronous>, transform_indices = @transform_3, window_bounds = array<i64: 4, 128>}, {pipeline_mode = #tpu.pipeline_mode<synchronous>, transform_indices = @transform_4, window_bounds = array<i64: 128, 128>}, {pipeline_mode = #tpu.pipeline_mode<synchronous>, transform_indices = @transform_5, window_bounds = array<i64: 128, 4>}, {transform_indices = @transform_6, window_bounds = array<i64: 128, 128>}, {transform_indices = @transform_7, window_bounds = array<i64: 128, 4>}]} {
    %get3A = arith.constant 0 : index
    %get3A_0 = arith.constant 0 : index
    %get3A_1 = vector.load %arg2[%get3A, %get3A_0] : memref<128x4xf32, #tpu.memory_space<vmem>>, vector<128x4xf32>
    %get3A_2 = arith.constant 0 : index
    %get3A_3 = arith.constant 0 : index
    %get3A_4 = vector.load %arg4[%get3A_2, %get3A_3] : memref<4x128xf32, #tpu.memory_space<vmem>>, vector<4x128xf32>
    %dot_general3A = arith.constant dense<0.000000e+00> : vector<128x128xf32>
    %dot_general3A_5 = tpu.matmul %get3A_1, %get3A_4, %dot_general3A {dimension_numbers = #tpu.dot_dimension_numbers<[1], [0], [0], [1], [0, 0, 1, 1], [], []>, transpose_lhs_hint = false} : vector<128x4xf32>, vector<4x128xf32>, vector<128x128xf32> -> vector<128x128xf32>
    %get3A_6 = arith.constant 0 : index
    %get3A_7 = arith.constant 0 : index
    %get3A_8 = vector.load %arg1[%get3A_6, %get3A_7] : memref<128x128xf32, #tpu.memory_space<vmem>>, vector<128x128xf32>
    %add3A = arith.constant 1.000000e-16 : f32
    %add3A_9 = vector.broadcast %add3A : f32 to vector<128x128xf32>
    %add3A_10 = arith.addf %dot_general3A_5, %add3A_9 : vector<128x128xf32>
    %div3A = arith.divf %get3A_8, %add3A_10 : vector<128x128xf32>
    %get3A_11 = arith.constant 0 : index
    %get3A_12 = arith.constant 0 : index
    %get3A_13 = vector.load %arg3[%get3A_11, %get3A_12] : memref<1x128xf32, #tpu.memory_space<vmem>>, vector<1x128xf32>
    %add3A_14 = vector.broadcast %get3A_13 : vector<1x128xf32> to vector<128x128xf32>
    %add3A_15 = arith.addf %div3A, %add3A_14 : vector<128x128xf32>
    %gt3A = arith.constant 0.000000e+00 : f32
    %gt3A_16 = vector.broadcast %gt3A : f32 to vector<128x128xf32>
    %gt3A_17 = arith.cmpf ogt, %add3A_15, %gt3A_16 : vector<128x128xf32>
    %min3A = arith.constant 0.000000e+00 : f32
    %min3A_18 = vector.broadcast %min3A : f32 to vector<128x128xf32>
    %min3A_19 = arith.minimumf %add3A_15, %min3A_18 : vector<128x128xf32>
    %exp3A = math.exp %min3A_19 : vector<128x128xf32>
    %sub3A = arith.constant 1.000000e+00 : f32
    %sub3A_20 = vector.broadcast %sub3A : f32 to vector<128x128xf32>
    %sub3A_21 = arith.subf %exp3A, %sub3A_20 : vector<128x128xf32>
    %select_n3A = arith.select %gt3A_17, %add3A_15, %sub3A_21 : vector<128x128xi1>, vector<128x128xf32>
    %get3A_22 = arith.constant 0 : index
    %get3A_23 = arith.constant 0 : index
    %get3A_24 = vector.load %arg5[%get3A_22, %get3A_23] : memref<128x128xf32, #tpu.memory_space<vmem>>, vector<128x128xf32>
    %dot_general3A_25 = arith.constant dense<0.000000e+00> : vector<128x128xf32>
    %dot_general3A_26 = tpu.matmul %select_n3A, %get3A_24, %dot_general3A_25 {dimension_numbers = #tpu.dot_dimension_numbers<[1], [0], [0], [1], [0, 0, 1, 1], [], []>, transpose_lhs_hint = false} : vector<128x128xf32>, vector<128x128xf32>, vector<128x128xf32> -> vector<128x128xf32>
    %convert_element_type3A = arith.truncf %dot_general3A_26 : vector<128x128xf32> to vector<128x128xbf16>
    %swap3A = arith.constant 0 : index
    %swap3A_27 = arith.constant 0 : index
    %swap3A_28 = vector.load %arg7[%swap3A, %swap3A_27] : memref<128x128xbf16, #tpu.memory_space<vmem>>, vector<128x128xbf16>
    tpu.vector_store %arg7[%swap3A, %swap3A_27], %convert_element_type3A {strides = array<i32>} : memref<128x128xbf16, #tpu.memory_space<vmem>>, vector<128x128xbf16>,
    %get3A_29 = arith.constant 0 : index
    %get3A_30 = arith.constant 0 : index
    %get3A_31 = vector.load %arg6[%get3A_29, %get3A_30] : memref<128x4xf32, #tpu.memory_space<vmem>>, vector<128x4xf32>
    %dot_general3A_32 = arith.constant dense<0.000000e+00> : vector<128x4xf32>
    %dot_general3A_33 = tpu.matmul %dot_general3A_26, %get3A_31, %dot_general3A_32 {dimension_numbers = #tpu.dot_dimension_numbers<[1], [0], [0], [1], [0, 0, 1, 1], [], []>, transpose_lhs_hint = false} : vector<128x128xf32>, vector<128x4xf32>, vector<128x4xf32> -> vector<128x4xf32>
    %convert_element_type3A_34 = arith.truncf %dot_general3A_33 : vector<128x4xf32> to vector<128x4xbf16>
    %swap3A_35 = arith.constant 0 : index
    %swap3A_36 = arith.constant 0 : index
    %swap3A_37 = vector.load %arg8[%swap3A_35, %swap3A_36] : memref<128x4xbf16, #tpu.memory_space<vmem>>, vector<128x4xbf16>
    tpu.vector_store %arg8[%swap3A_35, %swap3A_36], %convert_element_type3A_34 {strides = array<i32>} : memref<128x4xbf16, #tpu.memory_space<vmem>>, vector<128x4xbf16>,
    return
  }
  func.func @transform_0(%arg0: i32) -> (i32, i32) {
    %c0_i32 = arith.constant 0 : i32
    %c0_i32_0 = arith.constant 0 : i32
    return %arg0, %c0_i32 : i32, i32
  }
  func.func @transform_1(%arg0: i32) -> (i32, i32) {
    %c0_i32 = arith.constant 0 : i32
    %c0_i32_0 = arith.constant 0 : i32
    return %arg0, %c0_i32 : i32, i32
  }
  func.func @transform_2(%arg0: i32) -> (i32, i32) {
    %c0_i32 = arith.constant 0 : i32
    %c0_i32_0 = arith.constant 0 : i32
    %c0_i32_1 = arith.constant 0 : i32
    return %c0_i32, %c0_i32_0 : i32, i32
  }
  func.func @transform_3(%arg0: i32) -> (i32, i32) {
    %c0_i32 = arith.constant 0 : i32
    %c0_i32_0 = arith.constant 0 : i32
    %c0_i32_1 = arith.constant 0 : i32
    return %c0_i32, %c0_i32_0 : i32, i32
  }
  func.func @transform_4(%arg0: i32) -> (i32, i32) {
    %c0_i32 = arith.constant 0 : i32
    %c0_i32_0 = arith.constant 0 : i32
    %c0_i32_1 = arith.constant 0 : i32
    return %c0_i32, %c0_i32_0 : i32, i32
  }
  func.func @transform_5(%arg0: i32) -> (i32, i32) {
    %c0_i32 = arith.constant 0 : i32
    %c0_i32_0 = arith.constant 0 : i32
    %c0_i32_1 = arith.constant 0 : i32
    return %c0_i32, %c0_i32_0 : i32, i32
  }
  func.func @transform_6(%arg0: i32) -> (i32, i32) {
    %c0_i32 = arith.constant 0 : i32
    %c0_i32_0 = arith.constant 0 : i32
    return %arg0, %c0_i32 : i32, i32
  }
  func.func @transform_7(%arg0: i32) -> (i32, i32) {
    %c0_i32 = arith.constant 0 : i32
    %c0_i32_0 = arith.constant 0 : i32
    return %arg0, %c0_i32 : i32, i32
  }
}

module attributes {stable_mosaic.version = 14 : i64} {
  func.func @_final_kernel(%arg0: i32, %arg1: memref<10112x128xf32, #tpu.memory_space<vmem>>, %arg2: memref<10112x4xf32, #tpu.memory_space<vmem>>, %arg3: memref<1x128xf32, #tpu.memory_space<vmem>>, %arg4: memref<4x128xf32, #tpu.memory_space<vmem>>, %arg5: memref<1x10112xi32, #tpu.memory_space<vmem>>, %arg6: memref<128x8xf32, #tpu.memory_space<vmem>>, %arg7: memref<1x8xf32, #tpu.memory_space<vmem>>, %arg8: memref<64x8xf32, #tpu.memory_space<vmem>>) attributes {dimension_semantics = [#tpu.dimension_semantics<arbitrary>], iteration_bounds = array<i64: 1>, scalar_prefetch = 0 : i64, scratch_operands = 0 : i64, tpu.core_type = #tpu.core_type<tc>, window_params = [{pipeline_mode = #tpu.pipeline_mode<synchronous>, transform_indices = @transform_0, window_bounds = array<i64: 10112, 128>}, {pipeline_mode = #tpu.pipeline_mode<synchronous>, transform_indices = @transform_1, window_bounds = array<i64: 10112, 4>}, {pipeline_mode = #tpu.pipeline_mode<synchronous>, transform_indices = @transform_2, window_bounds = array<i64: 1, 128>}, {pipeline_mode = #tpu.pipeline_mode<synchronous>, transform_indices = @transform_3, window_bounds = array<i64: 4, 128>}, {pipeline_mode = #tpu.pipeline_mode<synchronous>, transform_indices = @transform_4, window_bounds = array<i64: 1, 10112>}, {pipeline_mode = #tpu.pipeline_mode<synchronous>, transform_indices = @transform_5, window_bounds = array<i64: 128, 8>}, {pipeline_mode = #tpu.pipeline_mode<synchronous>, transform_indices = @transform_6, window_bounds = array<i64: 1, 8>}, {pipeline_mode = #tpu.pipeline_mode<synchronous>, transform_indices = @transform_7, window_bounds = array<i64: 64, 8>}]} {
    %get3A = arith.constant 0 : index
    %get3A_0 = arith.constant 0 : index
    %get3A_1 = vector.load %arg2[%get3A, %get3A_0] : memref<10112x4xf32, #tpu.memory_space<vmem>>, vector<10112x4xf32>
    %get3A_2 = arith.constant 0 : index
    %get3A_3 = arith.constant 0 : index
    %get3A_4 = vector.load %arg4[%get3A_2, %get3A_3] : memref<4x128xf32, #tpu.memory_space<vmem>>, vector<4x128xf32>
    %dot_general3A = arith.constant dense<0.000000e+00> : vector<10112x128xf32>
    %dot_general3A_5 = tpu.matmul %get3A_1, %get3A_4, %dot_general3A {dimension_numbers = #tpu.dot_dimension_numbers<[1], [0], [0], [1], [0, 0, 1, 1], [], []>, transpose_lhs_hint = false} : vector<10112x4xf32>, vector<4x128xf32>, vector<10112x128xf32> -> vector<10112x128xf32>
    %get3A_6 = arith.constant 0 : index
    %get3A_7 = arith.constant 0 : index
    %get3A_8 = vector.load %arg1[%get3A_6, %get3A_7] : memref<10112x128xf32, #tpu.memory_space<vmem>>, vector<10112x128xf32>
    %add3A = arith.constant 1.000000e-16 : f32
    %add3A_9 = vector.broadcast %add3A : f32 to vector<10112x128xf32>
    %add3A_10 = arith.addf %dot_general3A_5, %add3A_9 : vector<10112x128xf32>
    %div3A = arith.divf %get3A_8, %add3A_10 : vector<10112x128xf32>
    %get3A_11 = arith.constant 0 : index
    %get3A_12 = arith.constant 0 : index
    %get3A_13 = vector.load %arg3[%get3A_11, %get3A_12] : memref<1x128xf32, #tpu.memory_space<vmem>>, vector<1x128xf32>
    %add3A_14 = vector.broadcast %get3A_13 : vector<1x128xf32> to vector<10112x128xf32>
    %add3A_15 = arith.addf %div3A, %add3A_14 : vector<10112x128xf32>
    %get3A_16 = arith.constant 0 : index
    %get3A_17 = arith.constant 0 : index
    %get3A_18 = vector.load %arg5[%get3A_16, %get3A_17] : memref<1x10112xi32, #tpu.memory_space<vmem>>, vector<1x10112xi32>
    %iota3A = tpu.iota {dimensions = array<i32: 0>} : vector<64x10112xi32>
    %eq3A = vector.broadcast %get3A_18 : vector<1x10112xi32> to vector<64x10112xi32>
    %eq3A_19 = arith.cmpi eq, %iota3A, %eq3A : vector<64x10112xi32>
    %convert_element_type3A = arith.extui %eq3A_19 : vector<64x10112xi1> to vector<64x10112xi32>
    %convert_element_type3A_20 = arith.sitofp %convert_element_type3A : vector<64x10112xi32> to vector<64x10112xf32>
    %dot_general3A_21 = arith.constant dense<0.000000e+00> : vector<64x128xf32>
    %dot_general3A_22 = tpu.matmul %convert_element_type3A_20, %add3A_15, %dot_general3A_21 {dimension_numbers = #tpu.dot_dimension_numbers<[1], [0], [0], [1], [0, 0, 1, 1], [], []>, transpose_lhs_hint = false} : vector<64x10112xf32>, vector<10112x128xf32>, vector<64x128xf32> -> vector<64x128xf32>
    %broadcast_in_dim3A = arith.constant 1.000000e+00 : f32
    %broadcast_in_dim3A_23 = vector.broadcast %broadcast_in_dim3A : f32 to vector<10112x128xf32>
    %dot_general3A_24 = arith.constant dense<0.000000e+00> : vector<64x128xf32>
    %dot_general3A_25 = tpu.matmul %convert_element_type3A_20, %broadcast_in_dim3A_23, %dot_general3A_24 {dimension_numbers = #tpu.dot_dimension_numbers<[1], [0], [0], [1], [0, 0, 1, 1], [], []>, transpose_lhs_hint = false} : vector<64x10112xf32>, vector<10112x128xf32>, vector<64x128xf32> -> vector<64x128xf32>
    %max3A = arith.constant 1.000000e+00 : f32
    %max3A_26 = vector.broadcast %max3A : f32 to vector<64x128xf32>
    %max3A_27 = arith.maximumf %dot_general3A_25, %max3A_26 : vector<64x128xf32>
    %div3A_28 = arith.divf %dot_general3A_22, %max3A_27 : vector<64x128xf32>
    %get3A_29 = arith.constant 0 : index
    %get3A_30 = arith.constant 0 : index
    %get3A_31 = vector.load %arg6[%get3A_29, %get3A_30] : memref<128x8xf32, #tpu.memory_space<vmem>>, vector<128x8xf32>
    %dot_general3A_32 = arith.constant dense<0.000000e+00> : vector<64x8xf32>
    %dot_general3A_33 = tpu.matmul %div3A_28, %get3A_31, %dot_general3A_32 {dimension_numbers = #tpu.dot_dimension_numbers<[1], [0], [0], [1], [0, 0, 1, 1], [], []>, transpose_lhs_hint = false} : vector<64x128xf32>, vector<128x8xf32>, vector<64x8xf32> -> vector<64x8xf32>
    %get3A_34 = arith.constant 0 : index
    %get3A_35 = arith.constant 0 : index
    %get3A_36 = vector.load %arg7[%get3A_34, %get3A_35] : memref<1x8xf32, #tpu.memory_space<vmem>>, vector<1x8xf32>
    %add3A_37 = vector.broadcast %get3A_36 : vector<1x8xf32> to vector<64x8xf32>
    %add3A_38 = arith.addf %dot_general3A_33, %add3A_37 : vector<64x8xf32>
    %swap3A = arith.constant 0 : index
    %swap3A_39 = arith.constant 0 : index
    %swap3A_40 = vector.load %arg8[%swap3A, %swap3A_39] : memref<64x8xf32, #tpu.memory_space<vmem>>, vector<64x8xf32>
    tpu.vector_store %arg8[%swap3A, %swap3A_39], %add3A_38 {strides = array<i32>} : memref<64x8xf32, #tpu.memory_space<vmem>>, vector<64x8xf32>,
    return
  }
  func.func @transform_0(%arg0: i32) -> (i32, i32) {
    %c0_i32 = arith.constant 0 : i32
    %c0_i32_0 = arith.constant 0 : i32
    %c0_i32_1 = arith.constant 0 : i32
    return %c0_i32, %c0_i32_0 : i32, i32
  }
  func.func @transform_1(%arg0: i32) -> (i32, i32) {
    %c0_i32 = arith.constant 0 : i32
    %c0_i32_0 = arith.constant 0 : i32
    %c0_i32_1 = arith.constant 0 : i32
    return %c0_i32, %c0_i32_0 : i32, i32
  }
  func.func @transform_2(%arg0: i32) -> (i32, i32) {
    %c0_i32 = arith.constant 0 : i32
    %c0_i32_0 = arith.constant 0 : i32
    %c0_i32_1 = arith.constant 0 : i32
    return %c0_i32, %c0_i32_0 : i32, i32
  }
  func.func @transform_3(%arg0: i32) -> (i32, i32) {
    %c0_i32 = arith.constant 0 : i32
    %c0_i32_0 = arith.constant 0 : i32
    %c0_i32_1 = arith.constant 0 : i32
    return %c0_i32, %c0_i32_0 : i32, i32
  }
  func.func @transform_4(%arg0: i32) -> (i32, i32) {
    %c0_i32 = arith.constant 0 : i32
    %c0_i32_0 = arith.constant 0 : i32
    %c0_i32_1 = arith.constant 0 : i32
    return %c0_i32, %c0_i32_0 : i32, i32
  }
  func.func @transform_5(%arg0: i32) -> (i32, i32) {
    %c0_i32 = arith.constant 0 : i32
    %c0_i32_0 = arith.constant 0 : i32
    %c0_i32_1 = arith.constant 0 : i32
    return %c0_i32, %c0_i32_0 : i32, i32
  }
  func.func @transform_6(%arg0: i32) -> (i32, i32) {
    %c0_i32 = arith.constant 0 : i32
    %c0_i32_0 = arith.constant 0 : i32
    %c0_i32_1 = arith.constant 0 : i32
    return %c0_i32, %c0_i32_0 : i32, i32
  }
  func.func @transform_7(%arg0: i32) -> (i32, i32) {
    %c0_i32 = arith.constant 0 : i32
    %c0_i32_0 = arith.constant 0 : i32
    %c0_i32_1 = arith.constant 0 : i32
    return %c0_i32, %c0_i32_0 : i32, i32
  }
}

</mosaic_0001>

<sc_bundles>
// kernel: gather_offload_async_start.1
scs
__scs_entry_jumppad:
0x0: {  	(pc) =	sbr.rel $0x88, $3  }
0x1: {  	(tag) =	ssettag $0x0;
	lr =	simm.s32 $0x1  }
0x2: {  	[smem:$0x3F90] =	sst lr;
	_ =	strace $0xD0000000  }
0x3: {  	_ = 	snop  }
0x4: {  	_ = 	snop  }
0x5: {  	_ = 	snop  }
0x6: {  	_ = 	snop  }
0x7: {  	_ = 	snop  }
__scs_overlays_trampoline_lowered:
0x8: {  	[smem:$0x3F9F] =	sst s0  }
0x9: {  	[smem:$0x3FA0] =	sst s1  }
0xa: {  	[smem:$0x3FA1] =	sst s2  }
0xb: {  	[smem:$0x3FA2] =	sst s3  }
0xc: {  	[smem:$0x3FA3] =	sst s4  }
0xd: {  	[smem:$0x3FA4] =	sst s5  }
0xe: {  	[smem:$0x3FA5] =	sst s6  }
0xf: {  	[smem:$0x3FA6] =	sst s7  }
0x10: {  	[smem:$0x3FA7] =	sst s8  }
0x11: {  	[smem:$0x3FA8] =	sst s9;
	s0 =	simm.s32 @!p0 $0x0  }
0x12: {  	s1 =	sld [smem:$0x3F8E];
	s0 =	simm.s32 @p0 $0x1  }
0x13: {  	[smem:$0x3FA9] =	sst s0;
	s0 =	simm.s32 @!p1 $0x0  }
0x14: {  	s2 =	sld [smem:$0x3F8D];
	s0 =	simm.s32 @p1 $0x1  }
0x15: {  	[smem:$0x3FAA] =	sst s0;
	s0 =	simm.s32 @!p2 $0x0  }
0x16: {  	s3 =	sld [smem:$0x3FDB];
	s0 =	simm.s32 @p2 $0x1  }
0x17: {  	s4 =	simm.s32 $0x1BF5;
	[smem:$0x3FAC] =	sst s0  }
0x18: {  	s0 =	sld [smem:$0x3F8F];
	_ =	swait.ge [sflag:s4], $0x0  }
0x19: {  	s7 =	sld [smem:$0x3F90]  }
0x1a: {  	s8 =	sadd.s32 $0xFFFFE003, lr  }
0x1b: {  	s9 =	sadd.s32 $0xFFFFFEF7, lr;
	s5 =	simm.s32 $0xFFFFFFFF;
	p2 =	slt.u32 s8, $0xFFFFF086  }
0x1c: {  	p1 =	slt.u32 s9, $0xF7A;
	s5 =	simm.s32 @!p2 $0x0  }
0x1d: {  	s5 =	simm.s32 @p1 $0x1;
	p0 =	seq.s32 s7, s2  }
0x1e: {  	s7 =	smul.u32 @!p0 $0xF7A, s2;
	p2 =	seq.s32 @!p0 s5, $0x0  }
0x1f: {  	s9 =	smul.u32 $0xF7A, s1;
	s8 =	simm.s32 @!p0 $0x1BF5;
	p2 =	por !p2, p0  }
0x20: {  	[sflag:s8] =	ssyncset.s32 @!p0 $0xFFFFF086;
	s6 =	sadd.s32 @!p0 s3, s7;
	s7 =	simm.s32 @!p0 $0x108  }
0x21: {  	s3 =	sadd.s32 s3, s9;
	s6 =	sadd.s32 @!p0 $0x88, s6;
	s7 =	simm.s32 @p2 $0x1082  }
0x22: {  	[simem:s7], [sflag:s8] =	dma.local @!p0 [hbm:s6], $0xF7A  }
0x23: {  	s9 =	sor.u32 $0xD0000000, s2;
	s6 =	simm.s32 $0x108;
	_ =	swait.ge @!p0 [sflag:s8], $0x0  }
0x24: {  	s3 =	sadd.s32 $0x88, s3;
	s6 =	simm.s32 @!p1 $0x1082;
	[sflag:s4] =	ssyncset.s32 $0xFFFFF086  }
0x25: {  	[simem:s6], [sflag:s4] =	dma.local [hbm:s3], $0xF7A  }
0x26: {  	[smem:$0x3F90] =	sst s1;
	(tag) =	ssettag s2;
	_ =	strace s9  }
0x27: {  	s1 =	sld [smem:$0x3FA0]  }
0x28: {  	s2 =	sld [smem:$0x3FA1]  }
0x29: {  	s4 =	sld [smem:$0x3FA3]  }
0x2a: {  	p0 =	seq.s32 s5, $0x0;
	s5 =	sld [smem:$0x3FA4]  }
0x2b: {  	s6 =	sld [smem:$0x3FA5]  }
0x2c: {  	s7 =	sld [smem:$0x3FA6]  }
0x2d: {  	s3 =	simm.s32 $0x108;
	s8 =	sld [smem:$0x3FA7]  }
0x2e: {  	s3 =	simm.s32 @!p0 $0x1082;
	s9 =	sld [smem:$0x3FA8]  }
0x2f: {  	lr =	sadd.s32 s0, s3;
	s0 =	sld [smem:$0x3F9F]  }
0x30: {  	s3 =	sld [smem:$0x3FA2]  }
0x31: {  	[smem:$0x3FAB] =	sst s10  }
0x32: {  	s10 =	sld [smem:$0x3FA9];
	_ =	sdelay $0x3  }
0x33: {  	p0 =	seq.s32 s10, $0x1;
	s10 =	sld [smem:$0x3FAB];
	_ =	sdelay $0x3  }
0x34: {  	[smem:$0x3FAB] =	sst s10  }
0x35: {  	s10 =	sld [smem:$0x3FAA];
	_ =	sdelay $0x3  }
0x36: {  	p1 =	seq.s32 s10, $0x1;
	s10 =	sld [smem:$0x3FAB];
	_ =	sdelay $0x3  }
0x37: {  	[smem:$0x3FAB] =	sst s10  }
0x38: {  	s10 =	sld [smem:$0x3FAC]  }
0x39: {  	_ = 	snop;
	(pc) =	sbr.ind lr, $3  }
0x3a: {  	_ = 	snop  }
0x3b: {  	_ = 	snop  }
0x3c: {  	p2 =	seq.s32 s10, $0x1;
	s10 =	sld [smem:$0x3FAB]  }
0x3d: {  	_ =	shalt  }
0x3e: {  	_ =	shalt  }
0x3f: {  	_ =	shalt  }
0x40: {  	_ =	shalt  }
0x41: {  	_ =	shalt  }
0x42: {  	_ =	shalt  }
0x43: {  	_ =	shalt  }
0x44: {  	_ =	shalt  }
0x45: {  	_ =	shalt  }
0x46: {  	_ =	shalt  }
0x47: {  	_ =	shalt  }
0x48: {  	_ =	shalt  }
0x49: {  	_ =	shalt  }
0x4a: {  	_ =	shalt  }
0x4b: {  	_ =	shalt  }
0x4c: {  	_ =	shalt  }
0x4d: {  	_ =	shalt  }
0x4e: {  	_ =	shalt  }
0x4f: {  	_ =	shalt  }
0x50: {  	_ =	shalt  }
0x51: {  	_ =	shalt  }
0x52: {  	_ =	shalt  }
0x53: {  	_ =	shalt  }
0x54: {  	_ =	shalt  }
0x55: {  	_ =	shalt  }
0x56: {  	_ =	shalt  }
0x57: {  	_ =	shalt  }
0x58: {  	_ =	shalt  }
0x59: {  	_ =	shalt  }
0x5a: {  	_ =	shalt  }
0x5b: {  	_ =	shalt  }
0x5c: {  	_ =	shalt  }
0x5d: {  	_ =	shalt  }
0x5e: {  	_ =	shalt  }
0x5f: {  	_ =	shalt  }
0x60: {  	_ =	shalt  }
0x61: {  	_ =	shalt  }
0x62: {  	_ =	shalt  }
0x63: {  	_ =	shalt  }
0x64: {  	_ =	shalt  }
0x65: {  	_ =	shalt  }
0x66: {  	_ =	shalt  }
0x67: {  	_ =	shalt  }
0x68: {  	_ =	shalt  }
0x69: {  	_ =	shalt  }
0x6a: {  	_ =	shalt  }
0x6b: {  	_ =	shalt  }
0x6c: {  	_ =	shalt  }
0x6d: {  	_ =	shalt  }
0x6e: {  	_ =	shalt  }
0x6f: {  	_ =	shalt  }
0x70: {  	_ =	shalt  }
0x71: {  	_ =	shalt  }
0x72: {  	_ =	shalt  }
0x73: {  	_ =	shalt  }
0x74: {  	_ =	shalt  }
0x75: {  	_ =	shalt  }
0x76: {  	_ =	shalt  }
0x77: {  	_ =	shalt  }
0x78: {  	_ =	shalt  }
0x79: {  	_ =	shalt  }
0x7a: {  	_ =	shalt  }
0x7b: {  	_ =	shalt  }
0x7c: {  	_ =	shalt  }
0x7d: {  	_ =	shalt  }
0x7e: {  	_ =	shalt  }
0x7f: {  	_ =	shalt  }
0x80: {  	_ =	shalt  }
0x81: {  	_ =	shalt  }
0x82: {  	_ =	shalt  }
0x83: {  	_ =	shalt  }
0x84: {  	_ =	shalt  }
0x85: {  	_ =	shalt  }
0x86: {  	_ =	shalt  }
0x87: {  	_ =	shalt  }
.Lfunc_end0:
.L_simem_size_0:
called_computation.1_lowered:
.L_overlay_start_0:
0x88: {  	s2 =	sld [smem:$0x3FD9]  }
0x89: {  	s3 =	sld [smem:$0x3FFE];
	_ =	sdelay $0x1  }
0x8a: {  	s1 =	srdreg.scid  }
0x8b: {  	s0 =	sand.u32 $0x1, s1  }
0x8c: {  	s16 =	sshll.u32 s0, $0xA;
	s2 =	sadd.s32 s3, s2  }
0x8d: {  	s2 =	sadd.s32 s2, s16  }
0x8e: {  	[smem:$0x3FB7] =	sst s2  }
0x8f: {  	_ = 	snop  }
0x90: {  	(tm) =	ssettm $0x1  }
0x91: {  	s17 =	sld [smem:$0x3FFB];
	_ =	sdelay $0x3  }
0x92: {  	_ =	strace s17  }
0x93: {  	s2 =	sld [smem:$0x3FFC];
	_ =	sdelay $0x3  }
0x94: {  	_ =	strace s2  }
0x95: {  	s2 =	sld [smem:$0x3FFD];
	_ =	sdelay $0x3  }
0x96: {  	_ =	strace s2  }
0x97: {  	_ =	strace $0x8FFFFFFF  }
0x98: {  	s18 =	sld [smem:$0x3FDB];
	_ =	sdelay $0x1  }
0x99: {  	s19 =	simm.s32 $_scs_section_size  }
0x9a: {  	s4 =	simm.s32 $_size__tile_overlayer_lowered;
	s5 =	simm.s32 $_tile_overlayer_lowered  }
0x9b: {  	s22 =	simm.s32 $0x1BFF;
	s21 =	sshll.u32 s5, $0x1;
	s2 =	sadd.s32 s19, s18  }
0x9c: {  	s6 =	simm.s32 $0x0;
	s20 =	sshll.u32 s4, $0x1;
	s4 =	sadd.s32 s21, s2  }
0x9d: {  	[timem:s6], [sflag:s22] =	dma.local [hbm:s4], s20  }
0x9e: {  	_ =	swait.ge [sflag:s22], s20  }
0x9f: {  	s3 =	ssub.s32 $0x0, s20;
	[sflag:s22] =	ssyncset.done $0x0  }
0xa0: {  	[sflag:s22] =	ssyncadd.s32 s3;
	_ =	sdelay $0x1  }
0xa1: {  	s23 =	simm.s32 $0x1B8B  }
0xa2: {  	_ =	swait.ge [sflag:s23], $0x1  }
0xa3: {  	[sflag:s23] =	ssyncset.done $0x0  }
0xa4: {  	s25 =	simm.s32 $0x1B8E;
	s24 =	sld [smem:$0x3FFE];
	[sflag:s23] =	ssyncadd.s32 $0xFFFFFFFF  }
0xa5: {  	s26 =	simm.s32 $execute0_lowered;
	[smem:$0x3FD2] =	sst s25  }
0xa6: {  	s4 =	sshll.u32 s26, $0x1;
	_ =	strace $0x80000046;
	[dreg:$0x1] =	wrdreg $0xFFFFFFFF  }
0xa7: {  	s28 =	simm.s32 $_size_execute0_lowered;
	s2 =	sadd.s32 s2, s4;
	[dreg:$0x0] =	wrdreg $0x0  }
0xa8: {  	s4 =	sshll.u32 s28, $0x1;
	[dreg:$0x2] =	wrdreg s2  }
0xa9: {  	[dreg:$0x3] =	wrdreg s4  }
0xaa: {  	[dreg:$0x4] =	wrdreg $0xC0  }
0xab: {  	_ =	task [dreg:s6], $0x5FFFF  }
0xac: {  	[dreg:$0x1] =	wrdreg $0xFFFFFFFF  }
0xad: {  	[dreg:$0x0] =	wrdreg $0x60  }
0xae: {  	[dreg:$0x2] =	wrdreg s24  }
0xaf: {  	[dreg:$0x3] =	wrdreg $0xA  }
0xb0: {  	_ =	task.clear_ibuf [dreg:s6], $0x4FFFF;
	_ =	strace $0x90000046  }
0xb1: {  	s29 =	simm.s32 $0xA;
	_ =	strace $0x80000048  }
0xb2: {  	_ =	swait.ge [sflag:s29], $0x1  }
0xb3: {  	[sflag:s29] =	ssyncadd.s32 $0xFFFFFFFF  }
0xb4: {  	_ =	strace $0x90000048  }
0xb5: {  	_ =	sfence  }
0xb6: {  	s30 =	sld [smem:$0x0];
	_ =	sdelay $0x2  }
0xb7: {  	s31 =	sshll.u32 s1, $0xD;
	s1 =	sshrl.u32 s1, $0x2  }
0xb8: {  	s3 =	sand.u32 $0x4000, s31;
	s1 =	sadd.s32 s1, s30  }
0xb9: {  	s0 =	sor.u32 s3, s0;
	s1 =	sshll.u32 s1, $0x11  }
0xba: {  	s0 =	sor.u32 s1, s0  }
0xbb: {  	s0 =	sadd.s32 $0x8F2B, s0  }
0xbc: {  	[sflag:s0] =	ssyncadd.remote.s32 $0x1  }
0xbd: {  	_ =	sfence.sel $0xFFFF  }
0xbe: {  	[dreg:$0x0] =	wrdreg $0xFFFFFFFF;
	(pc) =	sbr.abs _section_cstart, $3  }
0xbf: {  	[dreg:$0x1] =	wrdreg $0xFFFFFFFF  }
0xc0: {  	_ =	task.clear_ibuf [dreg:s6], $0x2FFFF;
	_ =	strace $0x9FFFFFFF  }
0xc1: {  	(tm) =	ssettm $0x7FFFFFFF  }
tec
execute0_lowered:
.L_overlay_start_1:
0x0: {  	(tag) =	ssettag $0x1  }
0x1: {  	s8 =	rddreg [dreg:$0x0]  }
0x2: {  	s0 =	rddreg [dreg:$0x1];
	_ =	strace $0x80000047;
	s1 =	stileid.u32  }
0x3: {  	s3 =	srdreg.scid;
	s4 =	simm.s32 $0x1;
	s7 =	simm.s32 $0x1  }
0x4: {  	s9 =	simm.s32 $0x1;
	s10 =	simm.s32 $0x3;
	s13 =	simm.s32 $0x0  }
0x5: {  	s12 =	simm.s32 $0x0;
	s5 =	sand.u32 $0x1, s3;
	s6 =	sshll.u32 s1, $0x1  }
0x6: {  	s2 =	sadd.s32 $0x18C00, s8;
	s3 =	sadd.s32 $0x40000, s8;
	s5 =	sor.u32 s6, s5  }
.Ltmp0:
0x7: {  	[sflag:s4] =	ssyncpa.u1 $0x0;
	p0 =	slt.u32 s5, $0x9;
	(pc) =	sbr.rel .LBB2_1-.Ltmp0, $4  }
0x8: {  	s6 =	simm.s32 $0x2;
	s7 =	simm.s32 @!p0 $0x0;
	p0 =	sne.s32 s5, $0x8  }
0x9: {  	[sflag:s6] =	ssyncpa.u1 $0x0;
	s5 =	smul.u32 $0x3E80, s5;
	s9 =	simm.s32 @!p0 $0x0  }
0xa: {  	s8 =	sadd.s32 $0x7E800, s8;
	[sflag:s10] =	ssyncpa.u1 $0x0;
	s7 =	sadd.s32 s9, s7  }
0xb: {  	vm0 =	vmmov $0xffff;
	s10 =	simm.s32 $0x0;
	s11 =	smov.u32 s5;
	s9 =	sadd.s32 $0x1, s7  }
.LBB2_4:
0xc: {  	v2 =	vnsel vm1, $0x0, v2  }
0xd: {  	vm1 =	vgt.s32 v0, $0x0;
	v2 =	vmin.u32 v2, $0x9C3FF  }
0xe: {  	v0 =	vnsel vm1, $0x0, v0  }
0xf: {  	v0 =	vmin.u32 v0, $0x9C3FF  }
0x10: {  	[tilespmem:s18], [sflag:$0x1] =	stream.indirect_vreg.gather [hbm4b:s2+s10], $0x1, v1, vm0, $0x4038;
	[tilespmem:$0xFA00] =	vst v63  }
0x11: {  	(ifvalue) =	ssetifvalue $0x7FFFFFFF  }
0x12: {  	[tilespmem:s15], [sflag:$0x1] =	stream.indirect_vreg.gather [hbm4b:s2+s10], $0x1, v2, vm0, $0x4038;
	[tilespmem:$0xFA00] =	vst v63  }
0x13: {  	s29 =	sadd.s32 $0x10, s15;
	(ifvalue) =	ssetifvalue $0x7FFFFFFF  }
0x14: {  	[tilespmem:s29], [sflag:$0x1] =	stream.indirect_vreg.gather [hbm4b:s2+s10], $0x1, v0, vm0, $0x4038;
	[tilespmem:$0xFA00] =	vst v63  }
0x15: {  	_ =	swait.ge [sflag:s4], $0x3E80  }
0x16: {  	s30 =	sshrl.u32 s13, $0x3;
	[sflag:s4] =	ssyncset.done $0x0  }
0x17: {  	s31 =	sand.u32 $0x7, s13;
	s15 =	sadd.s32 s8, s30;
	[sflag:s4] =	ssyncadd.s32 $0xFFFFC180  }
0x18: {  	[hbm4b:s15+s31] =	stream.linear.scatter [tilespmem:s14], [sflag:$0x3], $0x3E80, $0x38;
	[tilespmem:$0xFA00] =	vst v63  }
.LBB2_5:
0x19: {  	s15 =	sadd.s32 $0x7D000, s11  }
0x1a: {  	p1 =	sgt.s32 s15, $0x9C3FF  }
0x1b: {  	s15 =	smov.u32 @p1 s5;
	p1 =	sne.s32 s12, s9  }
.Ltmp1:
0x1c: {  	p0 =	slt.u32 s12, $0x2;
	(pc) =	sbr.rel @!p1 .LBB2_6-.Ltmp1, $4  }
0x1d: {  	s14 =	simm.s32 @!p0 $0x3  }
0x1e: {  	_ =	swait.ge @!p0 [sflag:s14], $0x3E80  }
0x1f: {  	s16 =	sadd.s32 $0x1, s12;
	s13 =	smov.u32 s11;
	[sflag:s14] =	ssyncset.done @!p0 $0x0  }
0x20: {  	s12 =	smov.u32 s16;
	s11 =	smov.u32 s15;
	[sflag:s14] =	ssyncadd.s32 @!p0 $0xFFFFC180  }
.LBB2_1:
0x21: {  	p0 =	sge.u32 s12, s7  }
0x22: {  	s14 =	sxor.u32 @!p0 $0x1, s12  }
0x23: {  	s14 =	smul.u32 @!p0 $0xFA00, s14  }
0x24: {  	s31 =	sadd.s32 $0xFFFFFFFF, s12;
	s15 =	sshrl.u32 @!p0 s11, $0x3  }
0x25: {  	s16 =	sand.u32 @!p0 $0x7, s11;
	s15 =	sadd.s32 @!p0 s3, s15;
	s14 =	sshra.s32 @!p0 s14, $0x2  }
0x26: {  	[tilespmem:s14], [sflag:$0x2] =	stream.linear.gather @!p0 [hbm4b:s15+s16], $0x3E80, $0x38;
	[tilespmem:$0xFA00] =	vst v63  }
0x27: {  	p0 =	sge.u32 s31, s7  }
.Ltmp2:
0x28: {  	_ = 	snop;
	(pc) =	sbr.rel @p0 .LBB2_5-.Ltmp2, $1  }
0x29: {  	_ =	sdelay $0x3  }
0x2a: {  	s14 =	sand.u32 $0x1, s12  }
0x2b: {  	_ =	swait.ge [sflag:s6], $0x3E80;
	p0 =	seq.s32 s14, $0x1;
	s14 =	simm.s32 $0x3E80  }
0x2c: {  	[sflag:s6] =	ssyncset.done $0x0;
	s14 =	simm.s32 @!p0 $0x0  }
0x2d: {  	[sflag:s6] =	ssyncadd.s32 $0xFFFFC180;
	(ifvalue) =	ssetifvalue $0x7FFFFFFF;
	v0 =	vld.msk [tilespmem:s14+$0x0 ss:$0x1], $0xffff;
	_ =	sdelay $0x4  }
0x2e: {  	s15 =	sadd.s32 $0x10, s14;
	vm1 =	vgt.s32 v0, $0x0  }
0x2f: {  	v2 =	vld.msk [tilespmem:s15+$0x0 ss:$0x1], $0xffff;
	v1 =	vnsel vm1, $0x0, v0  }
0x30: {  	v1 =	vmin.u32 v1, $0x9C3FF;
	_ =	sdelay $0x2  }
0x31: {  	s17 =	simm.s32 $0x20;
	s14 =	sadd.s32 $0x7D00, s14;
	s16 =	sadd.s32 $0x10, s15  }
0x32: {  	s15 =	sadd.s32 $0x10, s14;
	s18 =	smov.u32 s14;
	v0 =	vld.msk [tilespmem:s16+$0x0 ss:$0x1], $0xffff;
	vm1 =	vgt.s32 v2, $0x0;
	(ifvalue) =	ssetifvalue $0x7FFFFFFF  }
.LBB2_3:
0x33: {  	[tilespmem:s18], [sflag:$0x1] =	stream.indirect_vreg.gather [hbm4b:s2+s10], $0x1, v1, vm0, $0x4038;
	[tilespmem:$0xFA00] =	vst v63  }
0x34: {  	s17 =	sadd.s32 $0x10, s17  }
0x35: {  	v2 =	vnsel vm1, $0x0, v2;
	p0 =	slt.u32 s17, $0x3E70  }
.Ltmp3:
0x36: {  	s18 =	smov.u32 s15;
	v1 =	vmin.u32 v2, $0x9C3FF;
	(pc) =	sbr.rel @p0 .LBB2_3-.Ltmp3, $3  }
0x37: {  	_ =	sdelay $0x1  }
0x38: {  	s16 =	sadd.s32 $0x10, s16  }
0x39: {  	vm1 =	vgt.s32 v0, $0x0;
	s15 =	sadd.s32 $0x10, s15;
	v2 =	vmov v0;
	(ifvalue) =	ssetifvalue $0x7FFFFFFF;
	v0 =	vld.msk [tilespmem:s16+$0x0 ss:$0x1], $0xffff  }
.Ltmp4:
0x3a: {  	_ = 	snop;
	(pc) =	sbr.rel .LBB2_4-.Ltmp4, $1  }
0x3b: {  	_ =	sdelay $0x3  }
.LBB2_6:
0x3c: {  	_ =	sfence.sel $0x180000  }
0x3d: {  	s2 =	simm.s32 $0x2;
	[bflag:$0x0] =	sbarrier.arrive $0xFFFF  }
0x3e: {  	s30 =	simm.s32 $0x3;
	[sflag:s2] =	ssyncpa.u1 $0x1  }
0x3f: {  	s31 =	simm.s32 $0x1;
	[sflag:s30] =	ssyncpa.u1 $0x1  }
0x40: {  	[sflag:s31] =	ssyncpa.u1 $0x1  }
0x41: {  	p0 =	sne.s32 s1, $0x0;
	_ =	strace $0x90000047  }
0x42: {  	s0 =	sadd.s32 @!p0 $0x100000, s0;
	[bflag:$0x2] =	sbarrier.arrive $0xFFFF  }
0x43: {  	[sflag:s0] =	ssyncadd.tile.s32 @!p0 $0x1;
	_ =	shalt  }
.Lfunc_end2:
_tile_overlayer_lowered:
.L_overlay_start_2:
0x44: {  	(tag) =	ssettag $0x2  }
0x45: {  	s0 =	rddreg [dreg:$0x0];
	s2 =	stileid.u32  }
0x46: {  	s1 =	rddreg [dreg:$0x1];
	p0 =	sne.s32 s2, $0x0  }
0x47: {  	s3 =	rddreg [dreg:$0x2];
	[bflag:$0x3] =	sbarrier.arrive $0xFFFF;
	s2 =	simm.s32 @!p0 $0x1C01  }
0x48: {  	[timem:s3], [sflag:s2] =	dma.local @!p0 [hbm:s0], s1  }
0x49: {  	s0 =	simm.s32 @!p0 $0x1  }
0x4a: {  	_ =	swait.ge @!p0 [sflag:s0], s1  }
0x4b: {  	s1 =	ssub.s32 @!p0 $0x0, s1;
	[sflag:s0] =	ssyncset.done @!p0 $0x0  }
0x4c: {  	[sflag:s0] =	ssyncadd.s32 @!p0 s1  }
0x4d: {  	[bflag:$0x3] =	sbarrier.arrive $0xFFFF  }
0x4e: {  	_ =	shalt  }

// kernel: gather_offload_async_start
scs
__scs_entry_jumppad:
0x0: {  	(pc) =	sbr.rel $0x88, $3  }
0x1: {  	(tag) =	ssettag $0x0;
	lr =	simm.s32 $0x1  }
0x2: {  	[smem:$0x3F90] =	sst lr;
	_ =	strace $0xD0000000  }
0x3: {  	_ = 	snop  }
0x4: {  	_ = 	snop  }
0x5: {  	_ = 	snop  }
0x6: {  	_ = 	snop  }
0x7: {  	_ = 	snop  }
__scs_overlays_trampoline_lowered:
0x8: {  	[smem:$0x3F9F] =	sst s0  }
0x9: {  	[smem:$0x3FA0] =	sst s1  }
0xa: {  	[smem:$0x3FA1] =	sst s2  }
0xb: {  	[smem:$0x3FA2] =	sst s3  }
0xc: {  	[smem:$0x3FA3] =	sst s4  }
0xd: {  	[smem:$0x3FA4] =	sst s5  }
0xe: {  	[smem:$0x3FA5] =	sst s6  }
0xf: {  	[smem:$0x3FA6] =	sst s7  }
0x10: {  	[smem:$0x3FA7] =	sst s8  }
0x11: {  	[smem:$0x3FA8] =	sst s9;
	s0 =	simm.s32 @!p0 $0x0  }
0x12: {  	s1 =	sld [smem:$0x3F8E];
	s0 =	simm.s32 @p0 $0x1  }
0x13: {  	[smem:$0x3FA9] =	sst s0;
	s0 =	simm.s32 @!p1 $0x0  }
0x14: {  	s2 =	sld [smem:$0x3F8D];
	s0 =	simm.s32 @p1 $0x1  }
0x15: {  	[smem:$0x3FAA] =	sst s0;
	s0 =	simm.s32 @!p2 $0x0  }
0x16: {  	s3 =	sld [smem:$0x3FDB];
	s0 =	simm.s32 @p2 $0x1  }
0x17: {  	s4 =	simm.s32 $0x1BF5;
	[smem:$0x3FAC] =	sst s0  }
0x18: {  	s0 =	sld [smem:$0x3F8F];
	_ =	swait.ge [sflag:s4], $0x0  }
0x19: {  	s7 =	sld [smem:$0x3F90]  }
0x1a: {  	s8 =	sadd.s32 $0xFFFFE003, lr  }
0x1b: {  	s9 =	sadd.s32 $0xFFFFFEF7, lr;
	s5 =	simm.s32 $0xFFFFFFFF;
	p2 =	slt.u32 s8, $0xFFFFF086  }
0x1c: {  	p1 =	slt.u32 s9, $0xF7A;
	s5 =	simm.s32 @!p2 $0x0  }
0x1d: {  	s5 =	simm.s32 @p1 $0x1;
	p0 =	seq.s32 s7, s2  }
0x1e: {  	s7 =	smul.u32 @!p0 $0xF7A, s2;
	p2 =	seq.s32 @!p0 s5, $0x0  }
0x1f: {  	s9 =	smul.u32 $0xF7A, s1;
	s8 =	simm.s32 @!p0 $0x1BF5;
	p2 =	por !p2, p0  }
0x20: {  	[sflag:s8] =	ssyncset.s32 @!p0 $0xFFFFF086;
	s6 =	sadd.s32 @!p0 s3, s7;
	s7 =	simm.s32 @!p0 $0x108  }
0x21: {  	s3 =	sadd.s32 s3, s9;
	s6 =	sadd.s32 @!p0 $0x88, s6;
	s7 =	simm.s32 @p2 $0x1082  }
0x22: {  	[simem:s7], [sflag:s8] =	dma.local @!p0 [hbm:s6], $0xF7A  }
0x23: {  	s9 =	sor.u32 $0xD0000000, s2;
	s6 =	simm.s32 $0x108;
	_ =	swait.ge @!p0 [sflag:s8], $0x0  }
0x24: {  	s3 =	sadd.s32 $0x88, s3;
	s6 =	simm.s32 @!p1 $0x1082;
	[sflag:s4] =	ssyncset.s32 $0xFFFFF086  }
0x25: {  	[simem:s6], [sflag:s4] =	dma.local [hbm:s3], $0xF7A  }
0x26: {  	[smem:$0x3F90] =	sst s1;
	(tag) =	ssettag s2;
	_ =	strace s9  }
0x27: {  	s1 =	sld [smem:$0x3FA0]  }
0x28: {  	s2 =	sld [smem:$0x3FA1]  }
0x29: {  	s4 =	sld [smem:$0x3FA3]  }
0x2a: {  	p0 =	seq.s32 s5, $0x0;
	s5 =	sld [smem:$0x3FA4]  }
0x2b: {  	s6 =	sld [smem:$0x3FA5]  }
0x2c: {  	s7 =	sld [smem:$0x3FA6]  }
0x2d: {  	s3 =	simm.s32 $0x108;
	s8 =	sld [smem:$0x3FA7]  }
0x2e: {  	s3 =	simm.s32 @!p0 $0x1082;
	s9 =	sld [smem:$0x3FA8]  }
0x2f: {  	lr =	sadd.s32 s0, s3;
	s0 =	sld [smem:$0x3F9F]  }
0x30: {  	s3 =	sld [smem:$0x3FA2]  }
0x31: {  	[smem:$0x3FAB] =	sst s10  }
0x32: {  	s10 =	sld [smem:$0x3FA9];
	_ =	sdelay $0x3  }
0x33: {  	p0 =	seq.s32 s10, $0x1;
	s10 =	sld [smem:$0x3FAB];
	_ =	sdelay $0x3  }
0x34: {  	[smem:$0x3FAB] =	sst s10  }
0x35: {  	s10 =	sld [smem:$0x3FAA];
	_ =	sdelay $0x3  }
0x36: {  	p1 =	seq.s32 s10, $0x1;
	s10 =	sld [smem:$0x3FAB];
	_ =	sdelay $0x3  }
0x37: {  	[smem:$0x3FAB] =	sst s10  }
0x38: {  	s10 =	sld [smem:$0x3FAC]  }
0x39: {  	_ = 	snop;
	(pc) =	sbr.ind lr, $3  }
0x3a: {  	_ = 	snop  }
0x3b: {  	_ = 	snop  }
0x3c: {  	p2 =	seq.s32 s10, $0x1;
	s10 =	sld [smem:$0x3FAB]  }
0x3d: {  	_ =	shalt  }
0x3e: {  	_ =	shalt  }
0x3f: {  	_ =	shalt  }
0x40: {  	_ =	shalt  }
0x41: {  	_ =	shalt  }
0x42: {  	_ =	shalt  }
0x43: {  	_ =	shalt  }
0x44: {  	_ =	shalt  }
0x45: {  	_ =	shalt  }
0x46: {  	_ =	shalt  }
0x47: {  	_ =	shalt  }
0x48: {  	_ =	shalt  }
0x49: {  	_ =	shalt  }
0x4a: {  	_ =	shalt  }
0x4b: {  	_ =	shalt  }
0x4c: {  	_ =	shalt  }
0x4d: {  	_ =	shalt  }
0x4e: {  	_ =	shalt  }
0x4f: {  	_ =	shalt  }
0x50: {  	_ =	shalt  }
0x51: {  	_ =	shalt  }
0x52: {  	_ =	shalt  }
0x53: {  	_ =	shalt  }
0x54: {  	_ =	shalt  }
0x55: {  	_ =	shalt  }
0x56: {  	_ =	shalt  }
0x57: {  	_ =	shalt  }
0x58: {  	_ =	shalt  }
0x59: {  	_ =	shalt  }
0x5a: {  	_ =	shalt  }
0x5b: {  	_ =	shalt  }
0x5c: {  	_ =	shalt  }
0x5d: {  	_ =	shalt  }
0x5e: {  	_ =	shalt  }
0x5f: {  	_ =	shalt  }
0x60: {  	_ =	shalt  }
0x61: {  	_ =	shalt  }
0x62: {  	_ =	shalt  }
0x63: {  	_ =	shalt  }
0x64: {  	_ =	shalt  }
0x65: {  	_ =	shalt  }
0x66: {  	_ =	shalt  }
0x67: {  	_ =	shalt  }
0x68: {  	_ =	shalt  }
0x69: {  	_ =	shalt  }
0x6a: {  	_ =	shalt  }
0x6b: {  	_ =	shalt  }
0x6c: {  	_ =	shalt  }
0x6d: {  	_ =	shalt  }
0x6e: {  	_ =	shalt  }
0x6f: {  	_ =	shalt  }
0x70: {  	_ =	shalt  }
0x71: {  	_ =	shalt  }
0x72: {  	_ =	shalt  }
0x73: {  	_ =	shalt  }
0x74: {  	_ =	shalt  }
0x75: {  	_ =	shalt  }
0x76: {  	_ =	shalt  }
0x77: {  	_ =	shalt  }
0x78: {  	_ =	shalt  }
0x79: {  	_ =	shalt  }
0x7a: {  	_ =	shalt  }
0x7b: {  	_ =	shalt  }
0x7c: {  	_ =	shalt  }
0x7d: {  	_ =	shalt  }
0x7e: {  	_ =	shalt  }
0x7f: {  	_ =	shalt  }
0x80: {  	_ =	shalt  }
0x81: {  	_ =	shalt  }
0x82: {  	_ =	shalt  }
0x83: {  	_ =	shalt  }
0x84: {  	_ =	shalt  }
0x85: {  	_ =	shalt  }
0x86: {  	_ =	shalt  }
0x87: {  	_ =	shalt  }
.Lfunc_end0:
.L_simem_size_0:
called_computation_lowered:
.L_overlay_start_0:
0x88: {  	s2 =	sld [smem:$0x3FD9]  }
0x89: {  	s3 =	sld [smem:$0x3FFE];
	_ =	sdelay $0x1  }
0x8a: {  	s1 =	srdreg.scid  }
0x8b: {  	s0 =	sand.u32 $0x1, s1  }
0x8c: {  	s17 =	sshll.u32 s0, $0xA;
	s2 =	sadd.s32 s3, s2  }
0x8d: {  	s2 =	sadd.s32 s2, s17  }
0x8e: {  	[smem:$0x3FB7] =	sst s2  }
0x8f: {  	_ = 	snop  }
0x90: {  	(tm) =	ssettm $0x1  }
0x91: {  	s18 =	sld [smem:$0x3FFB];
	_ =	sdelay $0x3  }
0x92: {  	_ =	strace s18  }
0x93: {  	s2 =	sld [smem:$0x3FFC];
	_ =	sdelay $0x3  }
0x94: {  	_ =	strace s2  }
0x95: {  	s2 =	sld [smem:$0x3FFD];
	_ =	sdelay $0x3  }
0x96: {  	_ =	strace s2  }
0x97: {  	_ =	strace $0x8FFFFFFF  }
0x98: {  	s19 =	sld [smem:$0x3FDB];
	_ =	sdelay $0x1  }
0x99: {  	s20 =	simm.s32 $_scs_section_size  }
0x9a: {  	s4 =	simm.s32 $_size__tile_overlayer_lowered;
	s5 =	simm.s32 $_tile_overlayer_lowered  }
0x9b: {  	s6 =	simm.s32 $0x1BFF;
	s21 =	sshll.u32 s5, $0x1;
	s3 =	sadd.s32 s20, s19  }
0x9c: {  	s22 =	simm.s32 $0x0;
	s4 =	sshll.u32 s4, $0x1;
	s5 =	sadd.s32 s21, s3  }
0x9d: {  	[timem:s22], [sflag:s6] =	dma.local [hbm:s5], s4  }
0x9e: {  	_ =	swait.ge [sflag:s6], s4  }
0x9f: {  	s4 =	ssub.s32 $0x0, s4;
	[sflag:s6] =	ssyncset.done $0x0  }
0xa0: {  	[sflag:s6] =	ssyncadd.s32 s4;
	_ =	sdelay $0x1  }
0xa1: {  	s23 =	simm.s32 $0x1B8B  }
0xa2: {  	_ =	swait.ge [sflag:s23], $0x1  }
0xa3: {  	[sflag:s23] =	ssyncset.done $0x0  }
0xa4: {  	[sflag:s23] =	ssyncadd.s32 $0xFFFFFFFF  }
0xa5: {  	s4 =	sld [smem:$0x0]  }
0xa6: {  	s5 =	sand.u32 $0xFFFFFFFE, s1  }
0xa7: {  	p0 =	sne.s32 s1, s5  }
0xa8: {  	s5 =	sshll.u32 @p0 s5, $0xE  }
0xa9: {  	s5 =	sadd.s32 @p0 $0x11B8D, s5;
	s6 =	sshll.u32 @p0 s4, $0x11  }
0xaa: {  	s5 =	sor.u32 @p0 s6, s5  }
0xab: {  	[sflag:s5] =	ssyncadd.remote.s32 @p0 $0x1;
	_ =	sdelay $0x1  }
0xac: {  	s5 =	simm.s32 @p0 $0x1B8D  }
0xad: {  	_ =	swait.eq @p0 [sflag:s5], $0x1  }
0xae: {  	[sflag:s5] =	ssyncadd.s32 @p0 $0xFFFFFFFF  }
0xaf: {  	s6 =	sshll.u32 @!p0 s1, $0xE  }
0xb0: {  	s6 =	sor.u32 @!p0 $0x4000, s6;
	s5 =	simm.s32 @!p0 $0x1B8D  }
0xb1: {  	s4 =	sshll.u32 @!p0 s4, $0x11;
	s6 =	sadd.s32 @!p0 $0x11B8D, s6;
	_ =	swait.eq @!p0 [sflag:s5], $0x1  }
0xb2: {  	s4 =	sor.u32 @!p0 s4, s6;
	[sflag:s5] =	ssyncadd.s32 @!p0 $0xFFFFFFFF  }
0xb3: {  	s25 =	simm.s32 $0x1B8E;
	s24 =	sld [smem:$0x3FFE];
	[sflag:s4] =	ssyncadd.remote.s32 @!p0 $0x1  }
0xb4: {  	s26 =	simm.s32 $execute0_lowered;
	[smem:$0x3FD2] =	sst s25  }
0xb5: {  	s5 =	sshll.u32 s26, $0x1;
	_ =	strace $0x80000049;
	[dreg:$0x1] =	wrdreg $0xFFFFFFFF  }
0xb6: {  	s28 =	simm.s32 $_size_execute0_lowered;
	s3 =	sadd.s32 s3, s5;
	[dreg:$0x0] =	wrdreg $0x0  }
0xb7: {  	s5 =	sshll.u32 s28, $0x1;
	[dreg:$0x2] =	wrdreg s3  }
0xb8: {  	[dreg:$0x3] =	wrdreg s5  }
0xb9: {  	[dreg:$0x4] =	wrdreg $0xC0  }
0xba: {  	_ =	task [dreg:s22], $0x5FFFF  }
0xbb: {  	[dreg:$0x1] =	wrdreg $0xFFFFFFFF  }
0xbc: {  	[dreg:$0x0] =	wrdreg $0x60  }
0xbd: {  	[dreg:$0x2] =	wrdreg s24  }
0xbe: {  	[dreg:$0x3] =	wrdreg $0x9  }
0xbf: {  	_ =	task.clear_ibuf [dreg:s22], $0x4FFFF;
	_ =	strace $0x90000049  }
0xc0: {  	s29 =	simm.s32 $0x9;
	_ =	strace $0x8000004B  }
0xc1: {  	_ =	swait.ge [sflag:s29], $0x1  }
0xc2: {  	[sflag:s29] =	ssyncadd.s32 $0xFFFFFFFF  }
0xc3: {  	_ =	strace $0x9000004B  }
0xc4: {  	_ =	sfence  }
0xc5: {  	s30 =	sld [smem:$0x0];
	_ =	sdelay $0x2  }
0xc6: {  	s31 =	sshll.u32 s1, $0xD;
	s1 =	sshrl.u32 s1, $0x2  }
0xc7: {  	s4 =	sand.u32 $0x4000, s31;
	s1 =	sadd.s32 s1, s30  }
0xc8: {  	s0 =	sor.u32 s4, s0;
	s1 =	sshll.u32 s1, $0x11  }
0xc9: {  	s0 =	sor.u32 s1, s0  }
0xca: {  	s0 =	sadd.s32 $0x8F2B, s0  }
0xcb: {  	[sflag:s0] =	ssyncadd.remote.s32 $0x1  }
0xcc: {  	_ =	sfence.sel $0xFFFF  }
0xcd: {  	[dreg:$0x0] =	wrdreg $0xFFFFFFFF;
	(pc) =	sbr.abs _section_cstart, $3  }
0xce: {  	[dreg:$0x1] =	wrdreg $0xFFFFFFFF  }
0xcf: {  	_ =	task.clear_ibuf [dreg:s22], $0x2FFFF;
	_ =	strace $0x9FFFFFFF  }
0xd0: {  	(tm) =	ssettm $0x7FFFFFFF  }
0xd1: {  	_ =	shalt  }
tec
execute0_lowered:
.L_overlay_start_1:
0x0: {  	(tag) =	ssettag $0x1  }
0x1: {  	s8 =	rddreg [dreg:$0x0]  }
0x2: {  	s0 =	rddreg [dreg:$0x1];
	_ =	strace $0x8000004A;
	s1 =	stileid.u32  }
0x3: {  	s3 =	srdreg.scid;
	s4 =	simm.s32 $0x1;
	s7 =	simm.s32 $0x1  }
0x4: {  	s9 =	simm.s32 $0x1;
	s10 =	simm.s32 $0x3;
	s13 =	simm.s32 $0x0  }
0x5: {  	s12 =	simm.s32 $0x0;
	s5 =	sand.u32 $0x1, s3;
	s6 =	sshll.u32 s1, $0x1  }
0x6: {  	s2 =	sadd.s32 $0x5200, s8;
	s3 =	sadd.s32 $0x40000, s8;
	s5 =	sor.u32 s6, s5  }
.Ltmp0:
0x7: {  	[sflag:s4] =	ssyncpa.u1 $0x0;
	p0 =	slt.u32 s5, $0x9;
	(pc) =	sbr.rel .LBB2_1-.Ltmp0, $4  }
0x8: {  	s6 =	simm.s32 $0x2;
	s7 =	simm.s32 @!p0 $0x0;
	p0 =	sne.s32 s5, $0x8  }
0x9: {  	[sflag:s6] =	ssyncpa.u1 $0x0;
	s5 =	smul.u32 $0x3E80, s5;
	s9 =	simm.s32 @!p0 $0x0  }
0xa: {  	s8 =	sadd.s32 $0x92200, s8;
	[sflag:s10] =	ssyncpa.u1 $0x0;
	s7 =	sadd.s32 s9, s7  }
0xb: {  	vm0 =	vmmov $0xffff;
	s10 =	simm.s32 $0x0;
	s11 =	smov.u32 s5;
	s9 =	sadd.s32 $0x1, s7  }
.LBB2_4:
0xc: {  	v2 =	vnsel vm1, $0x0, v2  }
0xd: {  	vm1 =	vgt.s32 v0, $0x0;
	v2 =	vmin.u32 v2, $0x9C3FF  }
0xe: {  	v0 =	vnsel vm1, $0x0, v0  }
0xf: {  	v0 =	vmin.u32 v0, $0x9C3FF  }
0x10: {  	[tilespmem:s18], [sflag:$0x1] =	stream.indirect_vreg.gather [hbm4b:s2+s10], $0x1, v1, vm0, $0x4038;
	[tilespmem:$0xFA00] =	vst v63  }
0x11: {  	(ifvalue) =	ssetifvalue $0x7FFFFFFF  }
0x12: {  	[tilespmem:s15], [sflag:$0x1] =	stream.indirect_vreg.gather [hbm4b:s2+s10], $0x1, v2, vm0, $0x4038;
	[tilespmem:$0xFA00] =	vst v63  }
0x13: {  	s29 =	sadd.s32 $0x10, s15;
	(ifvalue) =	ssetifvalue $0x7FFFFFFF  }
0x14: {  	[tilespmem:s29], [sflag:$0x1] =	stream.indirect_vreg.gather [hbm4b:s2+s10], $0x1, v0, vm0, $0x4038;
	[tilespmem:$0xFA00] =	vst v63  }
0x15: {  	_ =	swait.ge [sflag:s4], $0x3E80  }
0x16: {  	s30 =	sshrl.u32 s13, $0x3;
	[sflag:s4] =	ssyncset.done $0x0  }
0x17: {  	s31 =	sand.u32 $0x7, s13;
	s15 =	sadd.s32 s8, s30;
	[sflag:s4] =	ssyncadd.s32 $0xFFFFC180  }
0x18: {  	[hbm4b:s15+s31] =	stream.linear.scatter [tilespmem:s14], [sflag:$0x3], $0x3E80, $0x38;
	[tilespmem:$0xFA00] =	vst v63  }
.LBB2_5:
0x19: {  	s15 =	sadd.s32 $0x7D000, s11  }
0x1a: {  	p1 =	sgt.s32 s15, $0x9C3FF  }
0x1b: {  	s15 =	smov.u32 @p1 s5;
	p1 =	sne.s32 s12, s9  }
.Ltmp1:
0x1c: {  	p0 =	slt.u32 s12, $0x2;
	(pc) =	sbr.rel @!p1 .LBB2_6-.Ltmp1, $4  }
0x1d: {  	s14 =	simm.s32 @!p0 $0x3  }
0x1e: {  	_ =	swait.ge @!p0 [sflag:s14], $0x3E80  }
0x1f: {  	s16 =	sadd.s32 $0x1, s12;
	s13 =	smov.u32 s11;
	[sflag:s14] =	ssyncset.done @!p0 $0x0  }
0x20: {  	s12 =	smov.u32 s16;
	s11 =	smov.u32 s15;
	[sflag:s14] =	ssyncadd.s32 @!p0 $0xFFFFC180  }
.LBB2_1:
0x21: {  	p0 =	sge.u32 s12, s7  }
0x22: {  	s14 =	sxor.u32 @!p0 $0x1, s12  }
0x23: {  	s14 =	smul.u32 @!p0 $0xFA00, s14  }
0x24: {  	s31 =	sadd.s32 $0xFFFFFFFF, s12;
	s15 =	sshrl.u32 @!p0 s11, $0x3  }
0x25: {  	s16 =	sand.u32 @!p0 $0x7, s11;
	s15 =	sadd.s32 @!p0 s3, s15;
	s14 =	sshra.s32 @!p0 s14, $0x2  }
0x26: {  	[tilespmem:s14], [sflag:$0x2] =	stream.linear.gather @!p0 [hbm4b:s15+s16], $0x3E80, $0x38;
	[tilespmem:$0xFA00] =	vst v63  }
0x27: {  	p0 =	sge.u32 s31, s7  }
.Ltmp2:
0x28: {  	_ = 	snop;
	(pc) =	sbr.rel @p0 .LBB2_5-.Ltmp2, $1  }
0x29: {  	_ =	sdelay $0x3  }
0x2a: {  	s14 =	sand.u32 $0x1, s12  }
0x2b: {  	_ =	swait.ge [sflag:s6], $0x3E80;
	p0 =	seq.s32 s14, $0x1;
	s14 =	simm.s32 $0x3E80  }
0x2c: {  	[sflag:s6] =	ssyncset.done $0x0;
	s14 =	simm.s32 @!p0 $0x0  }
0x2d: {  	[sflag:s6] =	ssyncadd.s32 $0xFFFFC180;
	(ifvalue) =	ssetifvalue $0x7FFFFFFF;
	v0 =	vld.msk [tilespmem:s14+$0x0 ss:$0x1], $0xffff;
	_ =	sdelay $0x4  }
0x2e: {  	s15 =	sadd.s32 $0x10, s14;
	vm1 =	vgt.s32 v0, $0x0  }
0x2f: {  	v2 =	vld.msk [tilespmem:s15+$0x0 ss:$0x1], $0xffff;
	v1 =	vnsel vm1, $0x0, v0  }
0x30: {  	v1 =	vmin.u32 v1, $0x9C3FF;
	_ =	sdelay $0x2  }
0x31: {  	s17 =	simm.s32 $0x20;
	s14 =	sadd.s32 $0x7D00, s14;
	s16 =	sadd.s32 $0x10, s15  }
0x32: {  	s15 =	sadd.s32 $0x10, s14;
	s18 =	smov.u32 s14;
	v0 =	vld.msk [tilespmem:s16+$0x0 ss:$0x1], $0xffff;
	vm1 =	vgt.s32 v2, $0x0;
	(ifvalue) =	ssetifvalue $0x7FFFFFFF  }
.LBB2_3:
0x33: {  	[tilespmem:s18], [sflag:$0x1] =	stream.indirect_vreg.gather [hbm4b:s2+s10], $0x1, v1, vm0, $0x4038;
	[tilespmem:$0xFA00] =	vst v63  }
0x34: {  	s17 =	sadd.s32 $0x10, s17  }
0x35: {  	v2 =	vnsel vm1, $0x0, v2;
	p0 =	slt.u32 s17, $0x3E70  }
.Ltmp3:
0x36: {  	s18 =	smov.u32 s15;
	v1 =	vmin.u32 v2, $0x9C3FF;
	(pc) =	sbr.rel @p0 .LBB2_3-.Ltmp3, $3  }
0x37: {  	_ =	sdelay $0x1  }
0x38: {  	s16 =	sadd.s32 $0x10, s16  }
0x39: {  	vm1 =	vgt.s32 v0, $0x0;
	s15 =	sadd.s32 $0x10, s15;
	v2 =	vmov v0;
	(ifvalue) =	ssetifvalue $0x7FFFFFFF;
	v0 =	vld.msk [tilespmem:s16+$0x0 ss:$0x1], $0xffff  }
.Ltmp4:
0x3a: {  	_ = 	snop;
	(pc) =	sbr.rel .LBB2_4-.Ltmp4, $1  }
0x3b: {  	_ =	sdelay $0x3  }
.LBB2_6:
0x3c: {  	_ =	sfence.sel $0x180000  }
0x3d: {  	s2 =	simm.s32 $0x2;
	[bflag:$0x0] =	sbarrier.arrive $0xFFFF  }
0x3e: {  	s30 =	simm.s32 $0x3;
	[sflag:s2] =	ssyncpa.u1 $0x1  }
0x3f: {  	s31 =	simm.s32 $0x1;
	[sflag:s30] =	ssyncpa.u1 $0x1  }
0x40: {  	[sflag:s31] =	ssyncpa.u1 $0x1  }
0x41: {  	p0 =	sne.s32 s1, $0x0;
	_ =	strace $0x9000004A  }
0x42: {  	s0 =	sadd.s32 @!p0 $0x100000, s0;
	[bflag:$0x2] =	sbarrier.arrive $0xFFFF  }
0x43: {  	[sflag:s0] =	ssyncadd.tile.s32 @!p0 $0x1;
	_ =	shalt  }
.Lfunc_end2:
_tile_overlayer_lowered:
.L_overlay_start_2:
0x44: {  	(tag) =	ssettag $0x2  }
0x45: {  	s0 =	rddreg [dreg:$0x0];
	s2 =	stileid.u32  }
0x46: {  	s1 =	rddreg [dreg:$0x1];
	p0 =	sne.s32 s2, $0x0  }
0x47: {  	s3 =	rddreg [dreg:$0x2];
	[bflag:$0x3] =	sbarrier.arrive $0xFFFF;
	s2 =	simm.s32 @!p0 $0x1C01  }
0x48: {  	[timem:s3], [sflag:s2] =	dma.local @!p0 [hbm:s0], s1  }
0x49: {  	s0 =	simm.s32 @!p0 $0x1  }
0x4a: {  	_ =	swait.ge @!p0 [sflag:s0], s1  }
0x4b: {  	s1 =	ssub.s32 @!p0 $0x0, s1;
	[sflag:s0] =	ssyncset.done @!p0 $0x0  }
0x4c: {  	[sflag:s0] =	ssyncadd.s32 @!p0 s1  }
0x4d: {  	[bflag:$0x3] =	sbarrier.arrive $0xFFFF  }
0x4e: {  	_ =	shalt  }

</sc_bundles>
